<compile_context>
chip_gen: v7x
topology: tpu7x:2x2x1
jax: 0.10.2.dev20260603
libtpu: 0.0.44.dev20260713+nightly
codegen_flags: <defaults>
</compile_context>

<pallas_src>
import functools

import jax
import jax.numpy as jnp
from jax import lax
from jax.experimental import pallas as pl
from jax.experimental.pallas import tpu as pltpu
from jax.experimental.pallas import tpu_sc as plsc

N = 10000
E = 160000
D = 256
H = 128

NC = 2
NS = 16
B = 128
NBLK = 80
SBLK = 40
EPT = NBLK * B
E_PAD = NS * EPT
NACC = 10240
ZPT = NACC // NS

_mesh = plsc.VectorSubcoreMesh(
    core_axis_name="c", subcore_axis_name="s", num_cores=NC, num_subcores=NS)


def _deg_body(dst_hbm, z1_hbm, ones1_hbm, deg_out, dacc, dst_v, ones_v):
  c = lax.axis_index("c")
  s = lax.axis_index("s")
  pltpu.sync_copy(z1_hbm.at[pl.ds(s * ZPT, ZPT)], dacc.at[pl.ds(s * ZPT, ZPT)])
  pltpu.sync_copy(ones1_hbm, ones_v)
  pltpu.sync_copy(dst_hbm.at[c * NS + s], dst_v)
  plsc.subcore_barrier()

  def blk(i, carry):
    pltpu.sync_copy(ones_v, dacc.at[dst_v.at[i]], add=True)
    return carry

  lax.fori_loop(0, NBLK, blk, 0)
  plsc.subcore_barrier()
  pltpu.sync_copy(dacc.at[pl.ds(s * ZPT, ZPT)],
                  deg_out.at[pl.ds(c * NACC + s * ZPT, ZPT)])


_deg_kernel = functools.partial(
    pl.kernel, _deg_body,
    out_type=jax.ShapeDtypeStruct((NC * NACC,), jnp.float32),
    mesh=_mesh,
    scratch_types=[
        pltpu.VMEM_SHARED((NACC,), jnp.float32),
        pltpu.VMEM((NBLK, B), jnp.int32),
        pltpu.VMEM((B,), jnp.float32),
    ],
)()


def _scat_body(ysp_hbm, ytr_hbm, gidx_hbm, dst_hbm, z_hbm, s_out,
               acc, gidx_v, dst_v, rows_a, rows_b, sem_a, sem_b):
  c = lax.axis_index("c")
  s = lax.axis_index("s")
  for set_ in range(2):
    table = ysp_hbm if set_ == 0 else ytr_hbm
    pltpu.sync_copy(z_hbm.at[pl.ds(s * ZPT, ZPT)], acc.at[pl.ds(s * ZPT, ZPT)])
    plsc.subcore_barrier()

    for stage in range(NBLK // SBLK):
      pltpu.sync_copy(
          gidx_hbm.at[((set_ * NC + c) * NS + s) * (NBLK // SBLK) + stage],
          gidx_v)
      pltpu.sync_copy(
          dst_hbm.at[(set_ * NS + s) * (NBLK // SBLK) + stage], dst_v)

      pltpu.async_copy(table.at[gidx_v.at[0]], rows_a, sem_a)

      def blk(j, carry):
        i0 = 2 * j
        pltpu.make_async_copy(table.at[gidx_v.at[i0]], rows_a, sem_a).wait()
        pltpu.async_copy(table.at[gidx_v.at[i0 + 1]], rows_b, sem_b)
        pltpu.sync_copy(rows_a, acc.at[dst_v.at[i0]], add=True)
        pltpu.make_async_copy(table.at[gidx_v.at[i0 + 1]], rows_b, sem_b).wait()

        @pl.when(j < SBLK // 2 - 1)
        def _():
          pltpu.async_copy(table.at[gidx_v.at[i0 + 2]], rows_a, sem_a)

        pltpu.sync_copy(rows_b, acc.at[dst_v.at[i0 + 1]], add=True)
        return carry

      lax.fori_loop(0, SBLK // 2, blk, 0)
    plsc.subcore_barrier()
    pltpu.sync_copy(
        acc.at[pl.ds(s * ZPT, ZPT)],
        s_out.at[pl.ds((set_ * NC + c) * NACC + s * ZPT, ZPT)])
    plsc.subcore_barrier()


_scat_kernel = functools.partial(
    pl.kernel, _scat_body,
    out_type=jax.ShapeDtypeStruct((2 * NC * NACC, H), jnp.float32),
    mesh=_mesh,
    scratch_types=[
        pltpu.VMEM_SHARED((NACC, H), jnp.float32),
        pltpu.VMEM((SBLK, B), jnp.int32),
        pltpu.VMEM((SBLK, B), jnp.int32),
        pltpu.VMEM((B, H), jnp.float32),
        pltpu.VMEM((B, H), jnp.float32),
        pltpu.SemaphoreType.DMA,
        pltpu.SemaphoreType.DMA,
    ],
)()


BN = 2000


def _prep_body(x_ref, w_ref, dsp_ref, dtr_ref, ysp_ref, ytr_ref):
  xw = jnp.dot(x_ref[...], w_ref[...], preferred_element_type=jnp.float32)
  dis_sp = lax.rsqrt(dsp_ref[...][:, 0:1] + 1.0)
  dis_tr = lax.rsqrt(dtr_ref[...][:, 0:1] + 1.0)
  ysp_ref[...] = xw[:, :D] * dis_sp
  ytr_ref[...] = xw[:, D:] * dis_tr


def _final_body(ysp_ref, ytr_ref, s_ref, dsp_ref, dtr_ref, bsp_ref, btr_ref,
                wtop_ref, wbot_ref, bf_ref, out_ref):
  dis_sp = lax.rsqrt(dsp_ref[...][:, 0:1] + 1.0)
  dis_tr = lax.rsqrt(dtr_ref[...][:, 0:1] + 1.0)
  s4 = s_ref[...]
  s_sp = jnp.concatenate([s4[0, 0], s4[0, 1]], axis=-1)
  s_tr = jnp.concatenate([s4[1, 0], s4[1, 1]], axis=-1)
  h_s = jnp.maximum((ysp_ref[...] + s_sp) * dis_sp + bsp_ref[...], 0.0)
  h_t = jnp.maximum((ytr_ref[...] + s_tr) * dis_tr + btr_ref[...], 0.0)
  acc = jnp.dot(h_s, wtop_ref[...], preferred_element_type=jnp.float32)
  acc += jnp.dot(h_t, wbot_ref[...], preferred_element_type=jnp.float32)
  out_ref[...] = jnp.maximum(acc + bf_ref[...], 0.0)


def _pad_set(idx, fill):
  return jnp.concatenate(
      [idx, jnp.full((E_PAD - E,), fill, dtype=jnp.int32)])


def kernel(x, sp_ei, tr_ei, W_spa, b_spa, W_tra, b_tra, W_fuse, b_fuse):
  sp_src = sp_ei[0].astype(jnp.int32)
  sp_dst = sp_ei[1].astype(jnp.int32)
  tr_src = tr_ei[0].astype(jnp.int32)
  tr_dst = tr_ei[1].astype(jnp.int32)

  dst_flat = jnp.stack([_pad_set(sp_dst, N), _pad_set(tr_dst, N)])
  dst_deg = dst_flat.reshape(2 * NS, NBLK, B)
  dst_all = dst_flat.reshape(2 * NS * (NBLK // SBLK), SBLK, B)
  gidx = jnp.stack([
      jnp.stack([_pad_set(2 * sp_src, 0), _pad_set(2 * sp_src + 1, 0)]),
      jnp.stack([_pad_set(2 * tr_src, 0), _pad_set(2 * tr_src + 1, 0)]),
  ]).reshape(2 * NC * NS * (NBLK // SBLK), SBLK, B)

  z1 = jnp.zeros((NACC,), jnp.float32)
  z128 = jnp.zeros((NACC, H), jnp.float32)
  ones1 = jnp.ones((B,), jnp.float32)

  deg_flat = _deg_kernel(dst_deg, z1, ones1)
  deg_sp = jnp.broadcast_to(deg_flat[:N, None], (N, 16))
  deg_tr = jnp.broadcast_to(deg_flat[NACC:NACC + N, None], (N, 16))

  W_cat = jnp.concatenate([W_spa, W_tra], axis=1)
  grid = N // BN
  y_sp, y_tr = pl.pallas_call(
      _prep_body,
      grid=(grid,),
      in_specs=[
          pl.BlockSpec((BN, D), lambda i: (i, 0)),
          pl.BlockSpec((D, 2 * D), lambda i: (0, 0)),
          pl.BlockSpec((BN, 16), lambda i: (i, 0)),
          pl.BlockSpec((BN, 16), lambda i: (i, 0)),
      ],
      out_specs=[
          pl.BlockSpec((BN, D), lambda i: (i, 0)),
          pl.BlockSpec((BN, D), lambda i: (i, 0)),
      ],
      out_shape=[
          jax.ShapeDtypeStruct((N, D), jnp.float32),
          jax.ShapeDtypeStruct((N, D), jnp.float32),
      ],
  )(x, W_cat, deg_sp, deg_tr)

  s_flat = _scat_kernel(
      y_sp.reshape(2 * N, H), y_tr.reshape(2 * N, H), gidx, dst_all, z128)
  s4 = s_flat.reshape(2, NC, NACC, H)

  out = pl.pallas_call(
      _final_body,
      grid=(grid,),
      in_specs=[
          pl.BlockSpec((BN, D), lambda i: (i, 0)),
          pl.BlockSpec((BN, D), lambda i: (i, 0)),
          pl.BlockSpec((2, NC, BN, H), lambda i: (0, 0, i, 0)),
          pl.BlockSpec((BN, 16), lambda i: (i, 0)),
          pl.BlockSpec((BN, 16), lambda i: (i, 0)),
          pl.BlockSpec((1, D), lambda i: (0, 0)),
          pl.BlockSpec((1, D), lambda i: (0, 0)),
          pl.BlockSpec((D, D), lambda i: (0, 0)),
          pl.BlockSpec((D, D), lambda i: (0, 0)),
          pl.BlockSpec((1, D), lambda i: (0, 0)),
      ],
      out_specs=pl.BlockSpec((BN, D), lambda i: (i, 0)),
      out_shape=jax.ShapeDtypeStruct((N, D), jnp.float32),
  )(y_sp, y_tr, s4, deg_sp, deg_tr,
    b_spa.reshape(1, D), b_tra.reshape(1, D),
    W_fuse[:D], W_fuse[D:], b_fuse.reshape(1, D))
  return out

# --- scband reference (transcript-rebuilt; emitter-appended) ---
"""Pipeline reference for scband-dual-gcn-16071767622239 (READ-ONLY COPY).

The authoritative reference and input builder live on the scoring server;
editing this copy changes nothing except your own understanding.
"""

import jax, jax.numpy as jnp
import numpy as np

N = 10000
E = 160000
D_IN = 256
D_OUT = 256


def gcn_conv(x, edge_index, W, b, num_nodes):
    # PyG GCNConv: out = D^{-1/2} (A + I) D^{-1/2} (x W) + b
    xw = x @ W
    src = edge_index[0]
    dst = edge_index[1]
    loop = jnp.arange(num_nodes, dtype=src.dtype)
    src = jnp.concatenate([src, loop])
    dst = jnp.concatenate([dst, loop])
    ones = jnp.ones(src.shape[0], dtype=x.dtype)
    deg = jax.ops.segment_sum(ones, dst, num_segments=num_nodes)
    dis = jnp.where(deg > 0, 1.0 / jnp.sqrt(deg), 0.0)
    norm = dis[src] * dis[dst]
    msg = xw[src] * norm[:, None]
    out = jax.ops.segment_sum(msg, dst, num_segments=num_nodes)
    return out + b


def setup_inputs(seed: int = 0) -> dict:
    key = jax.random.key(seed)
    ks = jax.random.split(key, 10)
    x = jax.random.normal(ks[0], (N, D_IN), dtype=jnp.float32)
    sp_ei = jax.random.randint(ks[1], (2, E), 0, N, dtype=jnp.int64)
    tr_ei = jax.random.randint(ks[2], (2, E), 0, N, dtype=jnp.int64)
    s = 1.0 / np.sqrt(D_IN)
    W_spa = jax.random.uniform(ks[3], (D_IN, D_OUT), minval=-s, maxval=s, dtype=jnp.float32)
    b_spa = jnp.zeros((D_OUT,), dtype=jnp.float32)
    W_tra = jax.random.uniform(ks[4], (D_IN, D_OUT), minval=-s, maxval=s, dtype=jnp.float32)
    b_tra = jnp.zeros((D_OUT,), dtype=jnp.float32)
    s2 = 1.0 / np.sqrt(2 * D_OUT)
    W_fuse = jax.random.uniform(ks[5], (2 * D_OUT, D_OUT), minval=-s2, maxval=s2, dtype=jnp.float32)
    b_fuse = jax.random.uniform(ks[6], (D_OUT,), minval=-s2, maxval=s2, dtype=jnp.float32)
    return {"x": x, "sp_ei": sp_ei, "tr_ei": tr_ei,
            "W_spa": W_spa, "b_spa": b_spa,
            "W_tra": W_tra, "b_tra": b_tra,
            "W_fuse": W_fuse, "b_fuse": b_fuse}


def reference(x, sp_ei, tr_ei, W_spa, b_spa, W_tra, b_tra, W_fuse, b_fuse):
    hs = jax.nn.relu(gcn_conv(x, sp_ei, W_spa, b_spa, N))
    ht = jax.nn.relu(gcn_conv(x, tr_ei, W_tra, b_tra, N))
    h = jnp.concatenate([hs, ht], axis=-1)
    return jax.nn.relu(h @ W_fuse + b_fuse)

if __name__ == "__main__":
    import jax
    _d = setup_inputs()
    print(jax.jit(kernel)(*tuple(_d.values())))

</pallas_src>

<mosaic_0001>
#map = affine_map<(d0, d1) -> (0, 0, 0)>
#map1 = affine_map<(d0, d1) -> (0)>
module attributes {stable_mosaic.version = 14 : i64} {
  func.func @_deg_body(%arg0: i32, %arg1: i32, %arg2: memref<32x80x128xi32, #tpu.memory_space<hbm>>, %arg3: memref<10240xf32, #tpu.memory_space<hbm>>, %arg4: memref<128xf32, #tpu.memory_space<hbm>>, %arg5: memref<20480xf32, #tpu.memory_space<hbm>>, %arg6: memref<10240xf32, #tpu.memory_space<vmem_shared>>, %arg7: memref<80x128xi32, #tpu.memory_space<vmem>>, %arg8: memref<128xf32, #tpu.memory_space<vmem>>) attributes {dimension_semantics = [#tpu.dimension_semantics<core_parallel>, #tpu.dimension_semantics<subcore_parallel>], iteration_bounds = array<i64: 2, 16>, scalar_prefetch = 0 : i64, scratch_operands = 3 : i64, tpu.core_type = #tpu.core_type<sc_vector_subcore>, window_params = [{transform_indices = #map}, {transform_indices = #map1}, {transform_indices = #map1}, {transform_indices = #map1}]} {
    %mul3A = arith.constant 640 : i32
    %mul3A_0 = arith.muli %arg1, %mul3A : i32
    %mul3A_1 = arith.constant 640 : i32
    %mul3A_2 = arith.muli %arg1, %mul3A_1 : i32
    "tpu.region"() ({
      %run_scoped3A = tpu.sem_alloc : memref<!tpu.dma_semaphore, #tpu.memory_space<semaphore_mem>>
      %dma_start3A = tpu.memref_slice %arg6[%mul3A_2] : memref<10240xf32, #tpu.memory_space<vmem_shared>> -> memref<640xf32, #tpu.memory_space<vmem_shared>>
      %dma_start3A_18 = tpu.memref_slice %arg3[%mul3A_0] : memref<10240xf32, #tpu.memory_space<hbm>> -> memref<640xf32, #tpu.memory_space<hbm>>
      tpu.enqueue_dma source(%dma_start3A_18 : memref<640xf32, #tpu.memory_space<hbm>>) target(%dma_start3A : memref<640xf32, #tpu.memory_space<vmem_shared>>) target_semaphore(%run_scoped3A : memref<!tpu.dma_semaphore, #tpu.memory_space<semaphore_mem>>)
      %dma_wait3A = tpu.memref_slice %arg6[%mul3A_2] : memref<10240xf32, #tpu.memory_space<vmem_shared>> -> memref<640xf32, #tpu.memory_space<vmem_shared>>
      %dma_wait3A_19 = tpu.memref_slice %arg3[%mul3A_0] : memref<10240xf32, #tpu.memory_space<hbm>> -> memref<640xf32, #tpu.memory_space<hbm>>
      tpu.wait_dma2 semaphore(%run_scoped3A : memref<!tpu.dma_semaphore, #tpu.memory_space<semaphore_mem>>) src(%dma_wait3A_19 : memref<640xf32, #tpu.memory_space<hbm>>) dst(%dma_wait3A : memref<640xf32, #tpu.memory_space<vmem_shared>>)
      tpu.yield
    }) : () -> ()
    "tpu.region"() ({
      %run_scoped3A = tpu.sem_alloc : memref<!tpu.dma_semaphore, #tpu.memory_space<semaphore_mem>>
      tpu.enqueue_dma source(%arg4 : memref<128xf32, #tpu.memory_space<hbm>>) target(%arg8 : memref<128xf32, #tpu.memory_space<vmem>>) target_semaphore(%run_scoped3A : memref<!tpu.dma_semaphore, #tpu.memory_space<semaphore_mem>>)
      tpu.wait_dma2 semaphore(%run_scoped3A : memref<!tpu.dma_semaphore, #tpu.memory_space<semaphore_mem>>) src(%arg4 : memref<128xf32, #tpu.memory_space<hbm>>) dst(%arg8 : memref<128xf32, #tpu.memory_space<vmem>>)
      tpu.yield
    }) : () -> ()
    %mul3A_3 = arith.constant 16 : i32
    %mul3A_4 = arith.muli %arg0, %mul3A_3 : i32
    %add3A = arith.addi %mul3A_4, %arg1 : i32
    "tpu.region"() ({
      %run_scoped3A = tpu.sem_alloc : memref<!tpu.dma_semaphore, #tpu.memory_space<semaphore_mem>>
      %dma_start3A = arith.constant 0 : i32
      %dma_start3A_18 = arith.constant 0 : i32
      %dma_start3A_19 = tpu.memref_slice %arg2[%add3A, %dma_start3A, %dma_start3A_18] : memref<32x80x128xi32, #tpu.memory_space<hbm>> -> memref<1x80x128xi32, #tpu.memory_space<hbm>>
      %dma_start3A_20 = tpu.memref_squeeze %dma_start3A_19 : memref<1x80x128xi32, #tpu.memory_space<hbm>> -> memref<80x128xi32, #tpu.memory_space<hbm>>
      %dma_start3A_21 = arith.constant 0 : i32
      %dma_start3A_22 = arith.constant 0 : i32
      %dma_start3A_23 = tpu.memref_slice %arg2[%add3A, %dma_start3A_21, %dma_start3A_22] : memref<32x80x128xi32, #tpu.memory_space<hbm>> -> memref<1x80x128xi32, #tpu.memory_space<hbm>>
      %dma_start3A_24 = tpu.memref_squeeze %dma_start3A_23 : memref<1x80x128xi32, #tpu.memory_space<hbm>> -> memref<80x128xi32, #tpu.memory_space<hbm>>
      tpu.enqueue_dma source(%dma_start3A_24 : memref<80x128xi32, #tpu.memory_space<hbm>>) target(%arg7 : memref<80x128xi32, #tpu.memory_space<vmem>>) target_semaphore(%run_scoped3A : memref<!tpu.dma_semaphore, #tpu.memory_space<semaphore_mem>>)
      %dma_wait3A = arith.constant 0 : i32
      %dma_wait3A_25 = arith.constant 0 : i32
      %dma_wait3A_26 = tpu.memref_slice %arg2[%add3A, %dma_wait3A, %dma_wait3A_25] : memref<32x80x128xi32, #tpu.memory_space<hbm>> -> memref<1x80x128xi32, #tpu.memory_space<hbm>>
      %dma_wait3A_27 = tpu.memref_squeeze %dma_wait3A_26 : memref<1x80x128xi32, #tpu.memory_space<hbm>> -> memref<80x128xi32, #tpu.memory_space<hbm>>
      %dma_wait3A_28 = arith.constant 0 : i32
      %dma_wait3A_29 = arith.constant 0 : i32
      %dma_wait3A_30 = tpu.memref_slice %arg2[%add3A, %dma_wait3A_28, %dma_wait3A_29] : memref<32x80x128xi32, #tpu.memory_space<hbm>> -> memref<1x80x128xi32, #tpu.memory_space<hbm>>
      %dma_wait3A_31 = tpu.memref_squeeze %dma_wait3A_30 : memref<1x80x128xi32, #tpu.memory_space<hbm>> -> memref<80x128xi32, #tpu.memory_space<hbm>>
      tpu.wait_dma2 semaphore(%run_scoped3A : memref<!tpu.dma_semaphore, #tpu.memory_space<semaphore_mem>>) src(%dma_wait3A_31 : memref<80x128xi32, #tpu.memory_space<hbm>>) dst(%arg7 : memref<80x128xi32, #tpu.memory_space<vmem>>)
      tpu.yield
    }) : () -> ()
    %barrier3A = arith.constant 0 : index
    tpu.barrier barrier_id(%barrier3A)
    %scan3A = arith.constant 0 : i32
    %scan3A_5 = arith.constant 0 : i32
    %scan3A_6 = arith.constant 80 : i32
    %scan3A_7 = arith.addi %scan3A_5, %scan3A_6 : i32
    %scan3A_8 = arith.constant 1 : i32
    scf.for %scan3A_18 = %scan3A_5 to %scan3A_7 step %scan3A_8  : i32 {
      "tpu.region"() ({
        %run_scoped3A = tpu.sem_alloc : memref<!tpu.dma_semaphore, #tpu.memory_space<semaphore_mem>>
        %dma_start3A = arith.constant 0 : i32
        %dma_start3A_19 = tpu.memref_slice %arg7[%scan3A_18, %dma_start3A] : memref<80x128xi32, #tpu.memory_space<vmem>> -> memref<1x128xi32, #tpu.memory_space<vmem>>
        %dma_start3A_20 = tpu.memref_squeeze %dma_start3A_19 : memref<1x128xi32, #tpu.memory_space<vmem>> -> memref<128xi32, #tpu.memory_space<vmem>>
        %dma_start3A_21 = arith.constant 0 : i32
        %dma_start3A_22 = tpu.memref_slice %arg6[%dma_start3A_21] : memref<10240xf32, #tpu.memory_space<vmem_shared>> -> memref<10240xf32, #tpu.memory_space<vmem_shared>>
        tpu.enqueue_indirect_dma source(%arg8 : memref<128xf32, #tpu.memory_space<vmem>>) target(%dma_start3A_22 : memref<10240xf32, #tpu.memory_space<vmem_shared>>) offsets(%dma_start3A_20 : memref<128xi32, #tpu.memory_space<vmem>>) semaphore(%run_scoped3A : memref<!tpu.dma_semaphore, #tpu.memory_space<semaphore_mem>>) {add = true}
        %dma_wait3A = arith.constant 0 : i32
        %dma_wait3A_23 = tpu.memref_slice %arg7[%scan3A_18, %dma_wait3A] : memref<80x128xi32, #tpu.memory_space<vmem>> -> memref<1x128xi32, #tpu.memory_space<vmem>>
        %dma_wait3A_24 = tpu.memref_squeeze %dma_wait3A_23 : memref<1x128xi32, #tpu.memory_space<vmem>> -> memref<128xi32, #tpu.memory_space<vmem>>
        %dma_wait3A_25 = arith.constant 0 : i32
        %dma_wait3A_26 = tpu.memref_slice %arg6[%dma_wait3A_25] : memref<10240xf32, #tpu.memory_space<vmem_shared>> -> memref<10240xf32, #tpu.memory_space<vmem_shared>>
        tpu.wait_indirect_dma semaphore(%run_scoped3A : memref<!tpu.dma_semaphore, #tpu.memory_space<semaphore_mem>>) src(%arg8 : memref<128xf32, #tpu.memory_space<vmem>>) dst(%dma_wait3A_26 : memref<10240xf32, #tpu.memory_space<vmem_shared>>)
        tpu.yield
      }) : () -> ()
    }
    %scan3A_9 = arith.constant 80 : i32
    %barrier3A_10 = arith.constant 0 : index
    tpu.barrier barrier_id(%barrier3A_10)
    %mul3A_11 = arith.constant 640 : i32
    %mul3A_12 = arith.muli %arg1, %mul3A_11 : i32
    %mul3A_13 = arith.constant 10240 : i32
    %mul3A_14 = arith.muli %arg0, %mul3A_13 : i32
    %mul3A_15 = arith.constant 640 : i32
    %mul3A_16 = arith.muli %arg1, %mul3A_15 : i32
    %add3A_17 = arith.addi %mul3A_14, %mul3A_16 : i32
    "tpu.region"() ({
      %run_scoped3A = tpu.sem_alloc : memref<!tpu.dma_semaphore, #tpu.memory_space<semaphore_mem>>
      %dma_start3A = tpu.memref_slice %arg5[%add3A_17] : memref<20480xf32, #tpu.memory_space<hbm>> -> memref<640xf32, #tpu.memory_space<hbm>>
      %dma_start3A_18 = tpu.memref_slice %arg6[%mul3A_12] : memref<10240xf32, #tpu.memory_space<vmem_shared>> -> memref<640xf32, #tpu.memory_space<vmem_shared>>
      tpu.enqueue_dma source(%dma_start3A_18 : memref<640xf32, #tpu.memory_space<vmem_shared>>) target(%dma_start3A : memref<640xf32, #tpu.memory_space<hbm>>) target_semaphore(%run_scoped3A : memref<!tpu.dma_semaphore, #tpu.memory_space<semaphore_mem>>)
      %dma_wait3A = tpu.memref_slice %arg5[%add3A_17] : memref<20480xf32, #tpu.memory_space<hbm>> -> memref<640xf32, #tpu.memory_space<hbm>>
      %dma_wait3A_19 = tpu.memref_slice %arg6[%mul3A_12] : memref<10240xf32, #tpu.memory_space<vmem_shared>> -> memref<640xf32, #tpu.memory_space<vmem_shared>>
      tpu.wait_dma2 semaphore(%run_scoped3A : memref<!tpu.dma_semaphore, #tpu.memory_space<semaphore_mem>>) src(%dma_wait3A_19 : memref<640xf32, #tpu.memory_space<vmem_shared>>) dst(%dma_wait3A : memref<640xf32, #tpu.memory_space<hbm>>)
      tpu.yield
    }) : () -> ()
    return
  }
}

#map = affine_map<(d0, d1) -> (0, 0)>
#map1 = affine_map<(d0, d1) -> (0, 0, 0)>
module attributes {stable_mosaic.version = 14 : i64} {
  func.func @_scat_body(%arg0: i32, %arg1: i32, %arg2: memref<20000x128xf32, #tpu.memory_space<hbm>>, %arg3: memref<20000x128xf32, #tpu.memory_space<hbm>>, %arg4: memref<128x40x128xi32, #tpu.memory_space<hbm>>, %arg5: memref<64x40x128xi32, #tpu.memory_space<hbm>>, %arg6: memref<10240x128xf32, #tpu.memory_space<hbm>>, %arg7: memref<40960x128xf32, #tpu.memory_space<hbm>>, %arg8: memref<10240x128xf32, #tpu.memory_space<vmem_shared>>, %arg9: memref<40x128xi32, #tpu.memory_space<vmem>>, %arg10: memref<40x128xi32, #tpu.memory_space<vmem>>, %arg11: memref<128x128xf32, #tpu.memory_space<vmem>>, %arg12: memref<128x128xf32, #tpu.memory_space<vmem>>, %arg13: memref<!tpu.dma_semaphore, #tpu.memory_space<semaphore_mem>>, %arg14: memref<!tpu.dma_semaphore, #tpu.memory_space<semaphore_mem>>) attributes {dimension_semantics = [#tpu.dimension_semantics<core_parallel>, #tpu.dimension_semantics<subcore_parallel>], iteration_bounds = array<i64: 2, 16>, scalar_prefetch = 0 : i64, scratch_operands = 7 : i64, tpu.core_type = #tpu.core_type<sc_vector_subcore>, window_params = [{transform_indices = #map}, {transform_indices = #map}, {transform_indices = #map1}, {transform_indices = #map1}, {transform_indices = #map}, {transform_indices = #map}]} {
    %mul3A = arith.constant 640 : i32
    %mul3A_0 = arith.muli %arg1, %mul3A : i32
    %mul3A_1 = arith.constant 640 : i32
    %mul3A_2 = arith.muli %arg1, %mul3A_1 : i32
    "tpu.region"() ({
      %run_scoped3A = tpu.sem_alloc : memref<!tpu.dma_semaphore, #tpu.memory_space<semaphore_mem>>
      %dma_start3A_139 = arith.constant 0 : i32
      %dma_start3A_140 = tpu.memref_slice %arg8[%mul3A_2, %dma_start3A_139] : memref<10240x128xf32, #tpu.memory_space<vmem_shared>> -> memref<640x128xf32, #tpu.memory_space<vmem_shared>>
      %dma_start3A_141 = arith.constant 0 : i32
      %dma_start3A_142 = tpu.memref_slice %arg6[%mul3A_0, %dma_start3A_141] : memref<10240x128xf32, #tpu.memory_space<hbm>> -> memref<640x128xf32, #tpu.memory_space<hbm>>
      tpu.enqueue_dma source(%dma_start3A_142 : memref<640x128xf32, #tpu.memory_space<hbm>>) target(%dma_start3A_140 : memref<640x128xf32, #tpu.memory_space<vmem_shared>>) target_semaphore(%run_scoped3A : memref<!tpu.dma_semaphore, #tpu.memory_space<semaphore_mem>>)
      %dma_wait3A = arith.constant 0 : i32
      %dma_wait3A_143 = tpu.memref_slice %arg8[%mul3A_2, %dma_wait3A] : memref<10240x128xf32, #tpu.memory_space<vmem_shared>> -> memref<640x128xf32, #tpu.memory_space<vmem_shared>>
      %dma_wait3A_144 = arith.constant 0 : i32
      %dma_wait3A_145 = tpu.memref_slice %arg6[%mul3A_0, %dma_wait3A_144] : memref<10240x128xf32, #tpu.memory_space<hbm>> -> memref<640x128xf32, #tpu.memory_space<hbm>>
      tpu.wait_dma2 semaphore(%run_scoped3A : memref<!tpu.dma_semaphore, #tpu.memory_space<semaphore_mem>>) src(%dma_wait3A_145 : memref<640x128xf32, #tpu.memory_space<hbm>>) dst(%dma_wait3A_143 : memref<640x128xf32, #tpu.memory_space<vmem_shared>>)
      tpu.yield
    }) : () -> ()
    %barrier3A = arith.constant 0 : index
    tpu.barrier barrier_id(%barrier3A)
    %add3A = arith.constant 0 : i32
    %add3A_3 = arith.addi %add3A, %arg0 : i32
    %mul3A_4 = arith.constant 16 : i32
    %mul3A_5 = arith.muli %add3A_3, %mul3A_4 : i32
    %add3A_6 = arith.addi %mul3A_5, %arg1 : i32
    %mul3A_7 = arith.constant 2 : i32
    %mul3A_8 = arith.muli %add3A_6, %mul3A_7 : i32
    %add3A_9 = arith.constant 0 : i32
    %add3A_10 = arith.addi %mul3A_8, %add3A_9 : i32
    "tpu.region"() ({
      %run_scoped3A = tpu.sem_alloc : memref<!tpu.dma_semaphore, #tpu.memory_space<semaphore_mem>>
      %dma_start3A_139 = arith.constant 0 : i32
      %dma_start3A_140 = arith.constant 0 : i32
      %dma_start3A_141 = tpu.memref_slice %arg4[%add3A_10, %dma_start3A_139, %dma_start3A_140] : memref<128x40x128xi32, #tpu.memory_space<hbm>> -> memref<1x40x128xi32, #tpu.memory_space<hbm>>
      %dma_start3A_142 = tpu.memref_squeeze %dma_start3A_141 : memref<1x40x128xi32, #tpu.memory_space<hbm>> -> memref<40x128xi32, #tpu.memory_space<hbm>>
      %dma_start3A_143 = arith.constant 0 : i32
      %dma_start3A_144 = arith.constant 0 : i32
      %dma_start3A_145 = tpu.memref_slice %arg4[%add3A_10, %dma_start3A_143, %dma_start3A_144] : memref<128x40x128xi32, #tpu.memory_space<hbm>> -> memref<1x40x128xi32, #tpu.memory_space<hbm>>
      %dma_start3A_146 = tpu.memref_squeeze %dma_start3A_145 : memref<1x40x128xi32, #tpu.memory_space<hbm>> -> memref<40x128xi32, #tpu.memory_space<hbm>>
      tpu.enqueue_dma source(%dma_start3A_146 : memref<40x128xi32, #tpu.memory_space<hbm>>) target(%arg9 : memref<40x128xi32, #tpu.memory_space<vmem>>) target_semaphore(%run_scoped3A : memref<!tpu.dma_semaphore, #tpu.memory_space<semaphore_mem>>)
      %dma_wait3A = arith.constant 0 : i32
      %dma_wait3A_147 = arith.constant 0 : i32
      %dma_wait3A_148 = tpu.memref_slice %arg4[%add3A_10, %dma_wait3A, %dma_wait3A_147] : memref<128x40x128xi32, #tpu.memory_space<hbm>> -> memref<1x40x128xi32, #tpu.memory_space<hbm>>
      %dma_wait3A_149 = tpu.memref_squeeze %dma_wait3A_148 : memref<1x40x128xi32, #tpu.memory_space<hbm>> -> memref<40x128xi32, #tpu.memory_space<hbm>>
      %dma_wait3A_150 = arith.constant 0 : i32
      %dma_wait3A_151 = arith.constant 0 : i32
      %dma_wait3A_152 = tpu.memref_slice %arg4[%add3A_10, %dma_wait3A_150, %dma_wait3A_151] : memref<128x40x128xi32, #tpu.memory_space<hbm>> -> memref<1x40x128xi32, #tpu.memory_space<hbm>>
      %dma_wait3A_153 = tpu.memref_squeeze %dma_wait3A_152 : memref<1x40x128xi32, #tpu.memory_space<hbm>> -> memref<40x128xi32, #tpu.memory_space<hbm>>
      tpu.wait_dma2 semaphore(%run_scoped3A : memref<!tpu.dma_semaphore, #tpu.memory_space<semaphore_mem>>) src(%dma_wait3A_153 : memref<40x128xi32, #tpu.memory_space<hbm>>) dst(%arg9 : memref<40x128xi32, #tpu.memory_space<vmem>>)
      tpu.yield
    }) : () -> ()
    %add3A_11 = arith.constant 0 : i32
    %add3A_12 = arith.addi %add3A_11, %arg1 : i32
    %mul3A_13 = arith.constant 2 : i32
    %mul3A_14 = arith.muli %add3A_12, %mul3A_13 : i32
    %add3A_15 = arith.constant 0 : i32
    %add3A_16 = arith.addi %mul3A_14, %add3A_15 : i32
    "tpu.region"() ({
      %run_scoped3A = tpu.sem_alloc : memref<!tpu.dma_semaphore, #tpu.memory_space<semaphore_mem>>
      %dma_start3A_139 = arith.constant 0 : i32
      %dma_start3A_140 = arith.constant 0 : i32
      %dma_start3A_141 = tpu.memref_slice %arg5[%add3A_16, %dma_start3A_139, %dma_start3A_140] : memref<64x40x128xi32, #tpu.memory_space<hbm>> -> memref<1x40x128xi32, #tpu.memory_space<hbm>>
      %dma_start3A_142 = tpu.memref_squeeze %dma_start3A_141 : memref<1x40x128xi32, #tpu.memory_space<hbm>> -> memref<40x128xi32, #tpu.memory_space<hbm>>
      %dma_start3A_143 = arith.constant 0 : i32
      %dma_start3A_144 = arith.constant 0 : i32
      %dma_start3A_145 = tpu.memref_slice %arg5[%add3A_16, %dma_start3A_143, %dma_start3A_144] : memref<64x40x128xi32, #tpu.memory_space<hbm>> -> memref<1x40x128xi32, #tpu.memory_space<hbm>>
      %dma_start3A_146 = tpu.memref_squeeze %dma_start3A_145 : memref<1x40x128xi32, #tpu.memory_space<hbm>> -> memref<40x128xi32, #tpu.memory_space<hbm>>
      tpu.enqueue_dma source(%dma_start3A_146 : memref<40x128xi32, #tpu.memory_space<hbm>>) target(%arg10 : memref<40x128xi32, #tpu.memory_space<vmem>>) target_semaphore(%run_scoped3A : memref<!tpu.dma_semaphore, #tpu.memory_space<semaphore_mem>>)
      %dma_wait3A = arith.constant 0 : i32
      %dma_wait3A_147 = arith.constant 0 : i32
      %dma_wait3A_148 = tpu.memref_slice %arg5[%add3A_16, %dma_wait3A, %dma_wait3A_147] : memref<64x40x128xi32, #tpu.memory_space<hbm>> -> memref<1x40x128xi32, #tpu.memory_space<hbm>>
      %dma_wait3A_149 = tpu.memref_squeeze %dma_wait3A_148 : memref<1x40x128xi32, #tpu.memory_space<hbm>> -> memref<40x128xi32, #tpu.memory_space<hbm>>
      %dma_wait3A_150 = arith.constant 0 : i32
      %dma_wait3A_151 = arith.constant 0 : i32
      %dma_wait3A_152 = tpu.memref_slice %arg5[%add3A_16, %dma_wait3A_150, %dma_wait3A_151] : memref<64x40x128xi32, #tpu.memory_space<hbm>> -> memref<1x40x128xi32, #tpu.memory_space<hbm>>
      %dma_wait3A_153 = tpu.memref_squeeze %dma_wait3A_152 : memref<1x40x128xi32, #tpu.memory_space<hbm>> -> memref<40x128xi32, #tpu.memory_space<hbm>>
      tpu.wait_dma2 semaphore(%run_scoped3A : memref<!tpu.dma_semaphore, #tpu.memory_space<semaphore_mem>>) src(%dma_wait3A_153 : memref<40x128xi32, #tpu.memory_space<hbm>>) dst(%arg10 : memref<40x128xi32, #tpu.memory_space<vmem>>)
      tpu.yield
    }) : () -> ()
    %dma_start3A = arith.constant 0 : i32
    %dma_start3A_17 = arith.constant 0 : i32
    %dma_start3A_18 = tpu.memref_slice %arg9[%dma_start3A, %dma_start3A_17] : memref<40x128xi32, #tpu.memory_space<vmem>> -> memref<1x128xi32, #tpu.memory_space<vmem>>
    %dma_start3A_19 = tpu.memref_squeeze %dma_start3A_18 : memref<1x128xi32, #tpu.memory_space<vmem>> -> memref<128xi32, #tpu.memory_space<vmem>>
    %dma_start3A_20 = arith.constant 0 : i32
    %dma_start3A_21 = arith.constant 0 : i32
    %dma_start3A_22 = tpu.memref_slice %arg2[%dma_start3A_20, %dma_start3A_21] : memref<20000x128xf32, #tpu.memory_space<hbm>> -> memref<20000x128xf32, #tpu.memory_space<hbm>>
    tpu.enqueue_indirect_dma source(%dma_start3A_22 : memref<20000x128xf32, #tpu.memory_space<hbm>>) target(%arg11 : memref<128x128xf32, #tpu.memory_space<vmem>>) offsets(%dma_start3A_19 : memref<128xi32, #tpu.memory_space<vmem>>) semaphore(%arg13 : memref<!tpu.dma_semaphore, #tpu.memory_space<semaphore_mem>>)
    %scan3A = arith.constant 0 : i32
    %scan3A_23 = arith.constant 0 : i32
    %scan3A_24 = arith.constant 20 : i32
    %scan3A_25 = arith.addi %scan3A_23, %scan3A_24 : i32
    %scan3A_26 = arith.constant 1 : i32
    scf.for %scan3A_139 = %scan3A_23 to %scan3A_25 step %scan3A_26  : i32 {
      %mul3A_140 = arith.constant 2 : i32
      %mul3A_141 = arith.muli %mul3A_140, %scan3A_139 : i32
      %dma_wait3A = arith.constant 0 : i32
      %dma_wait3A_142 = tpu.memref_slice %arg9[%mul3A_141, %dma_wait3A] : memref<40x128xi32, #tpu.memory_space<vmem>> -> memref<1x128xi32, #tpu.memory_space<vmem>>
      %dma_wait3A_143 = tpu.memref_squeeze %dma_wait3A_142 : memref<1x128xi32, #tpu.memory_space<vmem>> -> memref<128xi32, #tpu.memory_space<vmem>>
      %dma_wait3A_144 = arith.constant 0 : i32
      %dma_wait3A_145 = arith.constant 0 : i32
      %dma_wait3A_146 = tpu.memref_slice %arg2[%dma_wait3A_144, %dma_wait3A_145] : memref<20000x128xf32, #tpu.memory_space<hbm>> -> memref<20000x128xf32, #tpu.memory_space<hbm>>
      tpu.wait_indirect_dma semaphore(%arg13 : memref<!tpu.dma_semaphore, #tpu.memory_space<semaphore_mem>>) src(%dma_wait3A_146 : memref<20000x128xf32, #tpu.memory_space<hbm>>) dst(%arg11 : memref<128x128xf32, #tpu.memory_space<vmem>>)
      %add3A_147 = arith.constant 1 : i32
      %add3A_148 = arith.addi %mul3A_141, %add3A_147 : i32
      %dma_start3A_149 = arith.constant 0 : i32
      %dma_start3A_150 = tpu.memref_slice %arg9[%add3A_148, %dma_start3A_149] : memref<40x128xi32, #tpu.memory_space<vmem>> -> memref<1x128xi32, #tpu.memory_space<vmem>>
      %dma_start3A_151 = tpu.memref_squeeze %dma_start3A_150 : memref<1x128xi32, #tpu.memory_space<vmem>> -> memref<128xi32, #tpu.memory_space<vmem>>
      %dma_start3A_152 = arith.constant 0 : i32
      %dma_start3A_153 = arith.constant 0 : i32
      %dma_start3A_154 = tpu.memref_slice %arg2[%dma_start3A_152, %dma_start3A_153] : memref<20000x128xf32, #tpu.memory_space<hbm>> -> memref<20000x128xf32, #tpu.memory_space<hbm>>
      tpu.enqueue_indirect_dma source(%dma_start3A_154 : memref<20000x128xf32, #tpu.memory_space<hbm>>) target(%arg12 : memref<128x128xf32, #tpu.memory_space<vmem>>) offsets(%dma_start3A_151 : memref<128xi32, #tpu.memory_space<vmem>>) semaphore(%arg14 : memref<!tpu.dma_semaphore, #tpu.memory_space<semaphore_mem>>)
      "tpu.region"() ({
        %run_scoped3A = tpu.sem_alloc : memref<!tpu.dma_semaphore, #tpu.memory_space<semaphore_mem>>
        %dma_start3A_167 = arith.constant 0 : i32
        %dma_start3A_168 = tpu.memref_slice %arg10[%mul3A_141, %dma_start3A_167] : memref<40x128xi32, #tpu.memory_space<vmem>> -> memref<1x128xi32, #tpu.memory_space<vmem>>
        %dma_start3A_169 = tpu.memref_squeeze %dma_start3A_168 : memref<1x128xi32, #tpu.memory_space<vmem>> -> memref<128xi32, #tpu.memory_space<vmem>>
        %dma_start3A_170 = arith.constant 0 : i32
        %dma_start3A_171 = arith.constant 0 : i32
        %dma_start3A_172 = tpu.memref_slice %arg8[%dma_start3A_170, %dma_start3A_171] : memref<10240x128xf32, #tpu.memory_space<vmem_shared>> -> memref<10240x128xf32, #tpu.memory_space<vmem_shared>>
        tpu.enqueue_indirect_dma source(%arg11 : memref<128x128xf32, #tpu.memory_space<vmem>>) target(%dma_start3A_172 : memref<10240x128xf32, #tpu.memory_space<vmem_shared>>) offsets(%dma_start3A_169 : memref<128xi32, #tpu.memory_space<vmem>>) semaphore(%run_scoped3A : memref<!tpu.dma_semaphore, #tpu.memory_space<semaphore_mem>>) {add = true}
        %dma_wait3A_173 = arith.constant 0 : i32
        %dma_wait3A_174 = tpu.memref_slice %arg10[%mul3A_141, %dma_wait3A_173] : memref<40x128xi32, #tpu.memory_space<vmem>> -> memref<1x128xi32, #tpu.memory_space<vmem>>
        %dma_wait3A_175 = tpu.memref_squeeze %dma_wait3A_174 : memref<1x128xi32, #tpu.memory_space<vmem>> -> memref<128xi32, #tpu.memory_space<vmem>>
        %dma_wait3A_176 = arith.constant 0 : i32
        %dma_wait3A_177 = arith.constant 0 : i32
        %dma_wait3A_178 = tpu.memref_slice %arg8[%dma_wait3A_176, %dma_wait3A_177] : memref<10240x128xf32, #tpu.memory_space<vmem_shared>> -> memref<10240x128xf32, #tpu.memory_space<vmem_shared>>
        tpu.wait_indirect_dma semaphore(%run_scoped3A : memref<!tpu.dma_semaphore, #tpu.memory_space<semaphore_mem>>) src(%arg11 : memref<128x128xf32, #tpu.memory_space<vmem>>) dst(%dma_wait3A_178 : memref<10240x128xf32, #tpu.memory_space<vmem_shared>>)
        tpu.yield
      }) : () -> ()
      %add3A_155 = arith.constant 1 : i32
      %add3A_156 = arith.addi %mul3A_141, %add3A_155 : i32
      %dma_wait3A_157 = arith.constant 0 : i32
      %dma_wait3A_158 = tpu.memref_slice %arg9[%add3A_156, %dma_wait3A_157] : memref<40x128xi32, #tpu.memory_space<vmem>> -> memref<1x128xi32, #tpu.memory_space<vmem>>
      %dma_wait3A_159 = tpu.memref_squeeze %dma_wait3A_158 : memref<1x128xi32, #tpu.memory_space<vmem>> -> memref<128xi32, #tpu.memory_space<vmem>>
      %dma_wait3A_160 = arith.constant 0 : i32
      %dma_wait3A_161 = arith.constant 0 : i32
      %dma_wait3A_162 = tpu.memref_slice %arg2[%dma_wait3A_160, %dma_wait3A_161] : memref<20000x128xf32, #tpu.memory_space<hbm>> -> memref<20000x128xf32, #tpu.memory_space<hbm>>
      tpu.wait_indirect_dma semaphore(%arg14 : memref<!tpu.dma_semaphore, #tpu.memory_space<semaphore_mem>>) src(%dma_wait3A_162 : memref<20000x128xf32, #tpu.memory_space<hbm>>) dst(%arg12 : memref<128x128xf32, #tpu.memory_space<vmem>>)
      %lt3A = arith.constant 19 : i32
      %lt3A_163 = arith.cmpi slt, %scan3A_139, %lt3A : i32
      %convert_element_type3A = arith.extui %lt3A_163 : i1 to i32
      %cond3A = arith.constant 0 : i32
      %cond3A_164 = arith.cmpi ne, %convert_element_type3A, %cond3A : i32
      scf.if %cond3A_164 {
        %add3A_167 = arith.constant 2 : i32
        %add3A_168 = arith.addi %mul3A_141, %add3A_167 : i32
        %dma_start3A_169 = arith.constant 0 : i32
        %dma_start3A_170 = tpu.memref_slice %arg9[%add3A_168, %dma_start3A_169] : memref<40x128xi32, #tpu.memory_space<vmem>> -> memref<1x128xi32, #tpu.memory_space<vmem>>
        %dma_start3A_171 = tpu.memref_squeeze %dma_start3A_170 : memref<1x128xi32, #tpu.memory_space<vmem>> -> memref<128xi32, #tpu.memory_space<vmem>>
        %dma_start3A_172 = arith.constant 0 : i32
        %dma_start3A_173 = arith.constant 0 : i32
        %dma_start3A_174 = tpu.memref_slice %arg2[%dma_start3A_172, %dma_start3A_173] : memref<20000x128xf32, #tpu.memory_space<hbm>> -> memref<20000x128xf32, #tpu.memory_space<hbm>>
        tpu.enqueue_indirect_dma source(%dma_start3A_174 : memref<20000x128xf32, #tpu.memory_space<hbm>>) target(%arg11 : memref<128x128xf32, #tpu.memory_space<vmem>>) offsets(%dma_start3A_171 : memref<128xi32, #tpu.memory_space<vmem>>) semaphore(%arg13 : memref<!tpu.dma_semaphore, #tpu.memory_space<semaphore_mem>>)
      } else {
      }
      %add3A_165 = arith.constant 1 : i32
      %add3A_166 = arith.addi %mul3A_141, %add3A_165 : i32
      "tpu.region"() ({
        %run_scoped3A = tpu.sem_alloc : memref<!tpu.dma_semaphore, #tpu.memory_space<semaphore_mem>>
        %dma_start3A_167 = arith.constant 0 : i32
        %dma_start3A_168 = tpu.memref_slice %arg10[%add3A_166, %dma_start3A_167] : memref<40x128xi32, #tpu.memory_space<vmem>> -> memref<1x128xi32, #tpu.memory_space<vmem>>
        %dma_start3A_169 = tpu.memref_squeeze %dma_start3A_168 : memref<1x128xi32, #tpu.memory_space<vmem>> -> memref<128xi32, #tpu.memory_space<vmem>>
        %dma_start3A_170 = arith.constant 0 : i32
        %dma_start3A_171 = arith.constant 0 : i32
        %dma_start3A_172 = tpu.memref_slice %arg8[%dma_start3A_170, %dma_start3A_171] : memref<10240x128xf32, #tpu.memory_space<vmem_shared>> -> memref<10240x128xf32, #tpu.memory_space<vmem_shared>>
        tpu.enqueue_indirect_dma source(%arg12 : memref<128x128xf32, #tpu.memory_space<vmem>>) target(%dma_start3A_172 : memref<10240x128xf32, #tpu.memory_space<vmem_shared>>) offsets(%dma_start3A_169 : memref<128xi32, #tpu.memory_space<vmem>>) semaphore(%run_scoped3A : memref<!tpu.dma_semaphore, #tpu.memory_space<semaphore_mem>>) {add = true}
        %dma_wait3A_173 = arith.constant 0 : i32
        %dma_wait3A_174 = tpu.memref_slice %arg10[%add3A_166, %dma_wait3A_173] : memref<40x128xi32, #tpu.memory_space<vmem>> -> memref<1x128xi32, #tpu.memory_space<vmem>>
        %dma_wait3A_175 = tpu.memref_squeeze %dma_wait3A_174 : memref<1x128xi32, #tpu.memory_space<vmem>> -> memref<128xi32, #tpu.memory_space<vmem>>
        %dma_wait3A_176 = arith.constant 0 : i32
        %dma_wait3A_177 = arith.constant 0 : i32
        %dma_wait3A_178 = tpu.memref_slice %arg8[%dma_wait3A_176, %dma_wait3A_177] : memref<10240x128xf32, #tpu.memory_space<vmem_shared>> -> memref<10240x128xf32, #tpu.memory_space<vmem_shared>>
        tpu.wait_indirect_dma semaphore(%run_scoped3A : memref<!tpu.dma_semaphore, #tpu.memory_space<semaphore_mem>>) src(%arg12 : memref<128x128xf32, #tpu.memory_space<vmem>>) dst(%dma_wait3A_178 : memref<10240x128xf32, #tpu.memory_space<vmem_shared>>)
        tpu.yield
      }) : () -> ()
    }
    %scan3A_27 = arith.constant 20 : i32
    %add3A_28 = arith.constant 0 : i32
    %add3A_29 = arith.addi %add3A_28, %arg0 : i32
    %mul3A_30 = arith.constant 16 : i32
    %mul3A_31 = arith.muli %add3A_29, %mul3A_30 : i32
    %add3A_32 = arith.addi %mul3A_31, %arg1 : i32
    %mul3A_33 = arith.constant 2 : i32
    %mul3A_34 = arith.muli %add3A_32, %mul3A_33 : i32
    %add3A_35 = arith.constant 1 : i32
    %add3A_36 = arith.addi %mul3A_34, %add3A_35 : i32
    "tpu.region"() ({
      %run_scoped3A = tpu.sem_alloc : memref<!tpu.dma_semaphore, #tpu.memory_space<semaphore_mem>>
      %dma_start3A_139 = arith.constant 0 : i32
      %dma_start3A_140 = arith.constant 0 : i32
      %dma_start3A_141 = tpu.memref_slice %arg4[%add3A_36, %dma_start3A_139, %dma_start3A_140] : memref<128x40x128xi32, #tpu.memory_space<hbm>> -> memref<1x40x128xi32, #tpu.memory_space<hbm>>
      %dma_start3A_142 = tpu.memref_squeeze %dma_start3A_141 : memref<1x40x128xi32, #tpu.memory_space<hbm>> -> memref<40x128xi32, #tpu.memory_space<hbm>>
      %dma_start3A_143 = arith.constant 0 : i32
      %dma_start3A_144 = arith.constant 0 : i32
      %dma_start3A_145 = tpu.memref_slice %arg4[%add3A_36, %dma_start3A_143, %dma_start3A_144] : memref<128x40x128xi32, #tpu.memory_space<hbm>> -> memref<1x40x128xi32, #tpu.memory_space<hbm>>
      %dma_start3A_146 = tpu.memref_squeeze %dma_start3A_145 : memref<1x40x128xi32, #tpu.memory_space<hbm>> -> memref<40x128xi32, #tpu.memory_space<hbm>>
      tpu.enqueue_dma source(%dma_start3A_146 : memref<40x128xi32, #tpu.memory_space<hbm>>) target(%arg9 : memref<40x128xi32, #tpu.memory_space<vmem>>) target_semaphore(%run_scoped3A : memref<!tpu.dma_semaphore, #tpu.memory_space<semaphore_mem>>)
      %dma_wait3A = arith.constant 0 : i32
      %dma_wait3A_147 = arith.constant 0 : i32
      %dma_wait3A_148 = tpu.memref_slice %arg4[%add3A_36, %dma_wait3A, %dma_wait3A_147] : memref<128x40x128xi32, #tpu.memory_space<hbm>> -> memref<1x40x128xi32, #tpu.memory_space<hbm>>
      %dma_wait3A_149 = tpu.memref_squeeze %dma_wait3A_148 : memref<1x40x128xi32, #tpu.memory_space<hbm>> -> memref<40x128xi32, #tpu.memory_space<hbm>>
      %dma_wait3A_150 = arith.constant 0 : i32
      %dma_wait3A_151 = arith.constant 0 : i32
      %dma_wait3A_152 = tpu.memref_slice %arg4[%add3A_36, %dma_wait3A_150, %dma_wait3A_151] : memref<128x40x128xi32, #tpu.memory_space<hbm>> -> memref<1x40x128xi32, #tpu.memory_space<hbm>>
      %dma_wait3A_153 = tpu.memref_squeeze %dma_wait3A_152 : memref<1x40x128xi32, #tpu.memory_space<hbm>> -> memref<40x128xi32, #tpu.memory_space<hbm>>
      tpu.wait_dma2 semaphore(%run_scoped3A : memref<!tpu.dma_semaphore, #tpu.memory_space<semaphore_mem>>) src(%dma_wait3A_153 : memref<40x128xi32, #tpu.memory_space<hbm>>) dst(%arg9 : memref<40x128xi32, #tpu.memory_space<vmem>>)
      tpu.yield
    }) : () -> ()
    %add3A_37 = arith.constant 0 : i32
    %add3A_38 = arith.addi %add3A_37, %arg1 : i32
    %mul3A_39 = arith.constant 2 : i32
    %mul3A_40 = arith.muli %add3A_38, %mul3A_39 : i32
    %add3A_41 = arith.constant 1 : i32
    %add3A_42 = arith.addi %mul3A_40, %add3A_41 : i32
    "tpu.region"() ({
      %run_scoped3A = tpu.sem_alloc : memref<!tpu.dma_semaphore, #tpu.memory_space<semaphore_mem>>
      %dma_start3A_139 = arith.constant 0 : i32
      %dma_start3A_140 = arith.constant 0 : i32
      %dma_start3A_141 = tpu.memref_slice %arg5[%add3A_42, %dma_start3A_139, %dma_start3A_140] : memref<64x40x128xi32, #tpu.memory_space<hbm>> -> memref<1x40x128xi32, #tpu.memory_space<hbm>>
      %dma_start3A_142 = tpu.memref_squeeze %dma_start3A_141 : memref<1x40x128xi32, #tpu.memory_space<hbm>> -> memref<40x128xi32, #tpu.memory_space<hbm>>
      %dma_start3A_143 = arith.constant 0 : i32
      %dma_start3A_144 = arith.constant 0 : i32
      %dma_start3A_145 = tpu.memref_slice %arg5[%add3A_42, %dma_start3A_143, %dma_start3A_144] : memref<64x40x128xi32, #tpu.memory_space<hbm>> -> memref<1x40x128xi32, #tpu.memory_space<hbm>>
      %dma_start3A_146 = tpu.memref_squeeze %dma_start3A_145 : memref<1x40x128xi32, #tpu.memory_space<hbm>> -> memref<40x128xi32, #tpu.memory_space<hbm>>
      tpu.enqueue_dma source(%dma_start3A_146 : memref<40x128xi32, #tpu.memory_space<hbm>>) target(%arg10 : memref<40x128xi32, #tpu.memory_space<vmem>>) target_semaphore(%run_scoped3A : memref<!tpu.dma_semaphore, #tpu.memory_space<semaphore_mem>>)
      %dma_wait3A = arith.constant 0 : i32
      %dma_wait3A_147 = arith.constant 0 : i32
      %dma_wait3A_148 = tpu.memref_slice %arg5[%add3A_42, %dma_wait3A, %dma_wait3A_147] : memref<64x40x128xi32, #tpu.memory_space<hbm>> -> memref<1x40x128xi32, #tpu.memory_space<hbm>>
      %dma_wait3A_149 = tpu.memref_squeeze %dma_wait3A_148 : memref<1x40x128xi32, #tpu.memory_space<hbm>> -> memref<40x128xi32, #tpu.memory_space<hbm>>
      %dma_wait3A_150 = arith.constant 0 : i32
      %dma_wait3A_151 = arith.constant 0 : i32
      %dma_wait3A_152 = tpu.memref_slice %arg5[%add3A_42, %dma_wait3A_150, %dma_wait3A_151] : memref<64x40x128xi32, #tpu.memory_space<hbm>> -> memref<1x40x128xi32, #tpu.memory_space<hbm>>
      %dma_wait3A_153 = tpu.memref_squeeze %dma_wait3A_152 : memref<1x40x128xi32, #tpu.memory_space<hbm>> -> memref<40x128xi32, #tpu.memory_space<hbm>>
      tpu.wait_dma2 semaphore(%run_scoped3A : memref<!tpu.dma_semaphore, #tpu.memory_space<semaphore_mem>>) src(%dma_wait3A_153 : memref<40x128xi32, #tpu.memory_space<hbm>>) dst(%arg10 : memref<40x128xi32, #tpu.memory_space<vmem>>)
      tpu.yield
    }) : () -> ()
    %dma_start3A_43 = arith.constant 0 : i32
    %dma_start3A_44 = arith.constant 0 : i32
    %dma_start3A_45 = tpu.memref_slice %arg9[%dma_start3A_43, %dma_start3A_44] : memref<40x128xi32, #tpu.memory_space<vmem>> -> memref<1x128xi32, #tpu.memory_space<vmem>>
    %dma_start3A_46 = tpu.memref_squeeze %dma_start3A_45 : memref<1x128xi32, #tpu.memory_space<vmem>> -> memref<128xi32, #tpu.memory_space<vmem>>
    %dma_start3A_47 = arith.constant 0 : i32
    %dma_start3A_48 = arith.constant 0 : i32
    %dma_start3A_49 = tpu.memref_slice %arg2[%dma_start3A_47, %dma_start3A_48] : memref<20000x128xf32, #tpu.memory_space<hbm>> -> memref<20000x128xf32, #tpu.memory_space<hbm>>
    tpu.enqueue_indirect_dma source(%dma_start3A_49 : memref<20000x128xf32, #tpu.memory_space<hbm>>) target(%arg11 : memref<128x128xf32, #tpu.memory_space<vmem>>) offsets(%dma_start3A_46 : memref<128xi32, #tpu.memory_space<vmem>>) semaphore(%arg13 : memref<!tpu.dma_semaphore, #tpu.memory_space<semaphore_mem>>)
    %scan3A_50 = arith.constant 0 : i32
    %scan3A_51 = arith.constant 0 : i32
    %scan3A_52 = arith.constant 20 : i32
    %scan3A_53 = arith.addi %scan3A_51, %scan3A_52 : i32
    %scan3A_54 = arith.constant 1 : i32
    scf.for %scan3A_139 = %scan3A_51 to %scan3A_53 step %scan3A_54  : i32 {
      %mul3A_140 = arith.constant 2 : i32
      %mul3A_141 = arith.muli %mul3A_140, %scan3A_139 : i32
      %dma_wait3A = arith.constant 0 : i32
      %dma_wait3A_142 = tpu.memref_slice %arg9[%mul3A_141, %dma_wait3A] : memref<40x128xi32, #tpu.memory_space<vmem>> -> memref<1x128xi32, #tpu.memory_space<vmem>>
      %dma_wait3A_143 = tpu.memref_squeeze %dma_wait3A_142 : memref<1x128xi32, #tpu.memory_space<vmem>> -> memref<128xi32, #tpu.memory_space<vmem>>
      %dma_wait3A_144 = arith.constant 0 : i32
      %dma_wait3A_145 = arith.constant 0 : i32
      %dma_wait3A_146 = tpu.memref_slice %arg2[%dma_wait3A_144, %dma_wait3A_145] : memref<20000x128xf32, #tpu.memory_space<hbm>> -> memref<20000x128xf32, #tpu.memory_space<hbm>>
      tpu.wait_indirect_dma semaphore(%arg13 : memref<!tpu.dma_semaphore, #tpu.memory_space<semaphore_mem>>) src(%dma_wait3A_146 : memref<20000x128xf32, #tpu.memory_space<hbm>>) dst(%arg11 : memref<128x128xf32, #tpu.memory_space<vmem>>)
      %add3A_147 = arith.constant 1 : i32
      %add3A_148 = arith.addi %mul3A_141, %add3A_147 : i32
      %dma_start3A_149 = arith.constant 0 : i32
      %dma_start3A_150 = tpu.memref_slice %arg9[%add3A_148, %dma_start3A_149] : memref<40x128xi32, #tpu.memory_space<vmem>> -> memref<1x128xi32, #tpu.memory_space<vmem>>
      %dma_start3A_151 = tpu.memref_squeeze %dma_start3A_150 : memref<1x128xi32, #tpu.memory_space<vmem>> -> memref<128xi32, #tpu.memory_space<vmem>>
      %dma_start3A_152 = arith.constant 0 : i32
      %dma_start3A_153 = arith.constant 0 : i32
      %dma_start3A_154 = tpu.memref_slice %arg2[%dma_start3A_152, %dma_start3A_153] : memref<20000x128xf32, #tpu.memory_space<hbm>> -> memref<20000x128xf32, #tpu.memory_space<hbm>>
      tpu.enqueue_indirect_dma source(%dma_start3A_154 : memref<20000x128xf32, #tpu.memory_space<hbm>>) target(%arg12 : memref<128x128xf32, #tpu.memory_space<vmem>>) offsets(%dma_start3A_151 : memref<128xi32, #tpu.memory_space<vmem>>) semaphore(%arg14 : memref<!tpu.dma_semaphore, #tpu.memory_space<semaphore_mem>>)
      "tpu.region"() ({
        %run_scoped3A = tpu.sem_alloc : memref<!tpu.dma_semaphore, #tpu.memory_space<semaphore_mem>>
        %dma_start3A_167 = arith.constant 0 : i32
        %dma_start3A_168 = tpu.memref_slice %arg10[%mul3A_141, %dma_start3A_167] : memref<40x128xi32, #tpu.memory_space<vmem>> -> memref<1x128xi32, #tpu.memory_space<vmem>>
        %dma_start3A_169 = tpu.memref_squeeze %dma_start3A_168 : memref<1x128xi32, #tpu.memory_space<vmem>> -> memref<128xi32, #tpu.memory_space<vmem>>
        %dma_start3A_170 = arith.constant 0 : i32
        %dma_start3A_171 = arith.constant 0 : i32
        %dma_start3A_172 = tpu.memref_slice %arg8[%dma_start3A_170, %dma_start3A_171] : memref<10240x128xf32, #tpu.memory_space<vmem_shared>> -> memref<10240x128xf32, #tpu.memory_space<vmem_shared>>
        tpu.enqueue_indirect_dma source(%arg11 : memref<128x128xf32, #tpu.memory_space<vmem>>) target(%dma_start3A_172 : memref<10240x128xf32, #tpu.memory_space<vmem_shared>>) offsets(%dma_start3A_169 : memref<128xi32, #tpu.memory_space<vmem>>) semaphore(%run_scoped3A : memref<!tpu.dma_semaphore, #tpu.memory_space<semaphore_mem>>) {add = true}
        %dma_wait3A_173 = arith.constant 0 : i32
        %dma_wait3A_174 = tpu.memref_slice %arg10[%mul3A_141, %dma_wait3A_173] : memref<40x128xi32, #tpu.memory_space<vmem>> -> memref<1x128xi32, #tpu.memory_space<vmem>>
        %dma_wait3A_175 = tpu.memref_squeeze %dma_wait3A_174 : memref<1x128xi32, #tpu.memory_space<vmem>> -> memref<128xi32, #tpu.memory_space<vmem>>
        %dma_wait3A_176 = arith.constant 0 : i32
        %dma_wait3A_177 = arith.constant 0 : i32
        %dma_wait3A_178 = tpu.memref_slice %arg8[%dma_wait3A_176, %dma_wait3A_177] : memref<10240x128xf32, #tpu.memory_space<vmem_shared>> -> memref<10240x128xf32, #tpu.memory_space<vmem_shared>>
        tpu.wait_indirect_dma semaphore(%run_scoped3A : memref<!tpu.dma_semaphore, #tpu.memory_space<semaphore_mem>>) src(%arg11 : memref<128x128xf32, #tpu.memory_space<vmem>>) dst(%dma_wait3A_178 : memref<10240x128xf32, #tpu.memory_space<vmem_shared>>)
        tpu.yield
      }) : () -> ()
      %add3A_155 = arith.constant 1 : i32
      %add3A_156 = arith.addi %mul3A_141, %add3A_155 : i32
      %dma_wait3A_157 = arith.constant 0 : i32
      %dma_wait3A_158 = tpu.memref_slice %arg9[%add3A_156, %dma_wait3A_157] : memref<40x128xi32, #tpu.memory_space<vmem>> -> memref<1x128xi32, #tpu.memory_space<vmem>>
      %dma_wait3A_159 = tpu.memref_squeeze %dma_wait3A_158 : memref<1x128xi32, #tpu.memory_space<vmem>> -> memref<128xi32, #tpu.memory_space<vmem>>
      %dma_wait3A_160 = arith.constant 0 : i32
      %dma_wait3A_161 = arith.constant 0 : i32
      %dma_wait3A_162 = tpu.memref_slice %arg2[%dma_wait3A_160, %dma_wait3A_161] : memref<20000x128xf32, #tpu.memory_space<hbm>> -> memref<20000x128xf32, #tpu.memory_space<hbm>>
      tpu.wait_indirect_dma semaphore(%arg14 : memref<!tpu.dma_semaphore, #tpu.memory_space<semaphore_mem>>) src(%dma_wait3A_162 : memref<20000x128xf32, #tpu.memory_space<hbm>>) dst(%arg12 : memref<128x128xf32, #tpu.memory_space<vmem>>)
      %lt3A = arith.constant 19 : i32
      %lt3A_163 = arith.cmpi slt, %scan3A_139, %lt3A : i32
      %convert_element_type3A = arith.extui %lt3A_163 : i1 to i32
      %cond3A = arith.constant 0 : i32
      %cond3A_164 = arith.cmpi ne, %convert_element_type3A, %cond3A : i32
      scf.if %cond3A_164 {
        %add3A_167 = arith.constant 2 : i32
        %add3A_168 = arith.addi %mul3A_141, %add3A_167 : i32
        %dma_start3A_169 = arith.constant 0 : i32
        %dma_start3A_170 = tpu.memref_slice %arg9[%add3A_168, %dma_start3A_169] : memref<40x128xi32, #tpu.memory_space<vmem>> -> memref<1x128xi32, #tpu.memory_space<vmem>>
        %dma_start3A_171 = tpu.memref_squeeze %dma_start3A_170 : memref<1x128xi32, #tpu.memory_space<vmem>> -> memref<128xi32, #tpu.memory_space<vmem>>
        %dma_start3A_172 = arith.constant 0 : i32
        %dma_start3A_173 = arith.constant 0 : i32
        %dma_start3A_174 = tpu.memref_slice %arg2[%dma_start3A_172, %dma_start3A_173] : memref<20000x128xf32, #tpu.memory_space<hbm>> -> memref<20000x128xf32, #tpu.memory_space<hbm>>
        tpu.enqueue_indirect_dma source(%dma_start3A_174 : memref<20000x128xf32, #tpu.memory_space<hbm>>) target(%arg11 : memref<128x128xf32, #tpu.memory_space<vmem>>) offsets(%dma_start3A_171 : memref<128xi32, #tpu.memory_space<vmem>>) semaphore(%arg13 : memref<!tpu.dma_semaphore, #tpu.memory_space<semaphore_mem>>)
      } else {
      }
      %add3A_165 = arith.constant 1 : i32
      %add3A_166 = arith.addi %mul3A_141, %add3A_165 : i32
      "tpu.region"() ({
        %run_scoped3A = tpu.sem_alloc : memref<!tpu.dma_semaphore, #tpu.memory_space<semaphore_mem>>
        %dma_start3A_167 = arith.constant 0 : i32
        %dma_start3A_168 = tpu.memref_slice %arg10[%add3A_166, %dma_start3A_167] : memref<40x128xi32, #tpu.memory_space<vmem>> -> memref<1x128xi32, #tpu.memory_space<vmem>>
        %dma_start3A_169 = tpu.memref_squeeze %dma_start3A_168 : memref<1x128xi32, #tpu.memory_space<vmem>> -> memref<128xi32, #tpu.memory_space<vmem>>
        %dma_start3A_170 = arith.constant 0 : i32
        %dma_start3A_171 = arith.constant 0 : i32
        %dma_start3A_172 = tpu.memref_slice %arg8[%dma_start3A_170, %dma_start3A_171] : memref<10240x128xf32, #tpu.memory_space<vmem_shared>> -> memref<10240x128xf32, #tpu.memory_space<vmem_shared>>
        tpu.enqueue_indirect_dma source(%arg12 : memref<128x128xf32, #tpu.memory_space<vmem>>) target(%dma_start3A_172 : memref<10240x128xf32, #tpu.memory_space<vmem_shared>>) offsets(%dma_start3A_169 : memref<128xi32, #tpu.memory_space<vmem>>) semaphore(%run_scoped3A : memref<!tpu.dma_semaphore, #tpu.memory_space<semaphore_mem>>) {add = true}
        %dma_wait3A_173 = arith.constant 0 : i32
        %dma_wait3A_174 = tpu.memref_slice %arg10[%add3A_166, %dma_wait3A_173] : memref<40x128xi32, #tpu.memory_space<vmem>> -> memref<1x128xi32, #tpu.memory_space<vmem>>
        %dma_wait3A_175 = tpu.memref_squeeze %dma_wait3A_174 : memref<1x128xi32, #tpu.memory_space<vmem>> -> memref<128xi32, #tpu.memory_space<vmem>>
        %dma_wait3A_176 = arith.constant 0 : i32
        %dma_wait3A_177 = arith.constant 0 : i32
        %dma_wait3A_178 = tpu.memref_slice %arg8[%dma_wait3A_176, %dma_wait3A_177] : memref<10240x128xf32, #tpu.memory_space<vmem_shared>> -> memref<10240x128xf32, #tpu.memory_space<vmem_shared>>
        tpu.wait_indirect_dma semaphore(%run_scoped3A : memref<!tpu.dma_semaphore, #tpu.memory_space<semaphore_mem>>) src(%arg12 : memref<128x128xf32, #tpu.memory_space<vmem>>) dst(%dma_wait3A_178 : memref<10240x128xf32, #tpu.memory_space<vmem_shared>>)
        tpu.yield
      }) : () -> ()
    }
    %scan3A_55 = arith.constant 20 : i32
    %barrier3A_56 = arith.constant 0 : index
    tpu.barrier barrier_id(%barrier3A_56)
    %mul3A_57 = arith.constant 640 : i32
    %mul3A_58 = arith.muli %arg1, %mul3A_57 : i32
    %add3A_59 = arith.constant 0 : i32
    %add3A_60 = arith.addi %add3A_59, %arg0 : i32
    %mul3A_61 = arith.constant 10240 : i32
    %mul3A_62 = arith.muli %add3A_60, %mul3A_61 : i32
    %mul3A_63 = arith.constant 640 : i32
    %mul3A_64 = arith.muli %arg1, %mul3A_63 : i32
    %add3A_65 = arith.addi %mul3A_62, %mul3A_64 : i32
    "tpu.region"() ({
      %run_scoped3A = tpu.sem_alloc : memref<!tpu.dma_semaphore, #tpu.memory_space<semaphore_mem>>
      %dma_start3A_139 = arith.constant 0 : i32
      %dma_start3A_140 = tpu.memref_slice %arg7[%add3A_65, %dma_start3A_139] : memref<40960x128xf32, #tpu.memory_space<hbm>> -> memref<640x128xf32, #tpu.memory_space<hbm>>
      %dma_start3A_141 = arith.constant 0 : i32
      %dma_start3A_142 = tpu.memref_slice %arg8[%mul3A_58, %dma_start3A_141] : memref<10240x128xf32, #tpu.memory_space<vmem_shared>> -> memref<640x128xf32, #tpu.memory_space<vmem_shared>>
      tpu.enqueue_dma source(%dma_start3A_142 : memref<640x128xf32, #tpu.memory_space<vmem_shared>>) target(%dma_start3A_140 : memref<640x128xf32, #tpu.memory_space<hbm>>) target_semaphore(%run_scoped3A : memref<!tpu.dma_semaphore, #tpu.memory_space<semaphore_mem>>)
      %dma_wait3A = arith.constant 0 : i32
      %dma_wait3A_143 = tpu.memref_slice %arg7[%add3A_65, %dma_wait3A] : memref<40960x128xf32, #tpu.memory_space<hbm>> -> memref<640x128xf32, #tpu.memory_space<hbm>>
      %dma_wait3A_144 = arith.constant 0 : i32
      %dma_wait3A_145 = tpu.memref_slice %arg8[%mul3A_58, %dma_wait3A_144] : memref<10240x128xf32, #tpu.memory_space<vmem_shared>> -> memref<640x128xf32, #tpu.memory_space<vmem_shared>>
      tpu.wait_dma2 semaphore(%run_scoped3A : memref<!tpu.dma_semaphore, #tpu.memory_space<semaphore_mem>>) src(%dma_wait3A_145 : memref<640x128xf32, #tpu.memory_space<vmem_shared>>) dst(%dma_wait3A_143 : memref<640x128xf32, #tpu.memory_space<hbm>>)
      tpu.yield
    }) : () -> ()
    %barrier3A_66 = arith.constant 0 : index
    tpu.barrier barrier_id(%barrier3A_66)
    %mul3A_67 = arith.constant 640 : i32
    %mul3A_68 = arith.muli %arg1, %mul3A_67 : i32
    %mul3A_69 = arith.constant 640 : i32
    %mul3A_70 = arith.muli %arg1, %mul3A_69 : i32
    "tpu.region"() ({
      %run_scoped3A = tpu.sem_alloc : memref<!tpu.dma_semaphore, #tpu.memory_space<semaphore_mem>>
      %dma_start3A_139 = arith.constant 0 : i32
      %dma_start3A_140 = tpu.memref_slice %arg8[%mul3A_70, %dma_start3A_139] : memref<10240x128xf32, #tpu.memory_space<vmem_shared>> -> memref<640x128xf32, #tpu.memory_space<vmem_shared>>
      %dma_start3A_141 = arith.constant 0 : i32
      %dma_start3A_142 = tpu.memref_slice %arg6[%mul3A_68, %dma_start3A_141] : memref<10240x128xf32, #tpu.memory_space<hbm>> -> memref<640x128xf32, #tpu.memory_space<hbm>>
      tpu.enqueue_dma source(%dma_start3A_142 : memref<640x128xf32, #tpu.memory_space<hbm>>) target(%dma_start3A_140 : memref<640x128xf32, #tpu.memory_space<vmem_shared>>) target_semaphore(%run_scoped3A : memref<!tpu.dma_semaphore, #tpu.memory_space<semaphore_mem>>)
      %dma_wait3A = arith.constant 0 : i32
      %dma_wait3A_143 = tpu.memref_slice %arg8[%mul3A_70, %dma_wait3A] : memref<10240x128xf32, #tpu.memory_space<vmem_shared>> -> memref<640x128xf32, #tpu.memory_space<vmem_shared>>
      %dma_wait3A_144 = arith.constant 0 : i32
      %dma_wait3A_145 = tpu.memref_slice %arg6[%mul3A_68, %dma_wait3A_144] : memref<10240x128xf32, #tpu.memory_space<hbm>> -> memref<640x128xf32, #tpu.memory_space<hbm>>
      tpu.wait_dma2 semaphore(%run_scoped3A : memref<!tpu.dma_semaphore, #tpu.memory_space<semaphore_mem>>) src(%dma_wait3A_145 : memref<640x128xf32, #tpu.memory_space<hbm>>) dst(%dma_wait3A_143 : memref<640x128xf32, #tpu.memory_space<vmem_shared>>)
      tpu.yield
    }) : () -> ()
    %barrier3A_71 = arith.constant 0 : index
    tpu.barrier barrier_id(%barrier3A_71)
    %add3A_72 = arith.constant 2 : i32
    %add3A_73 = arith.addi %add3A_72, %arg0 : i32
    %mul3A_74 = arith.constant 16 : i32
    %mul3A_75 = arith.muli %add3A_73, %mul3A_74 : i32
    %add3A_76 = arith.addi %mul3A_75, %arg1 : i32
    %mul3A_77 = arith.constant 2 : i32
    %mul3A_78 = arith.muli %add3A_76, %mul3A_77 : i32
    %add3A_79 = arith.constant 0 : i32
    %add3A_80 = arith.addi %mul3A_78, %add3A_79 : i32
    "tpu.region"() ({
      %run_scoped3A = tpu.sem_alloc : memref<!tpu.dma_semaphore, #tpu.memory_space<semaphore_mem>>
      %dma_start3A_139 = arith.constant 0 : i32
      %dma_start3A_140 = arith.constant 0 : i32
      %dma_start3A_141 = tpu.memref_slice %arg4[%add3A_80, %dma_start3A_139, %dma_start3A_140] : memref<128x40x128xi32, #tpu.memory_space<hbm>> -> memref<1x40x128xi32, #tpu.memory_space<hbm>>
      %dma_start3A_142 = tpu.memref_squeeze %dma_start3A_141 : memref<1x40x128xi32, #tpu.memory_space<hbm>> -> memref<40x128xi32, #tpu.memory_space<hbm>>
      %dma_start3A_143 = arith.constant 0 : i32
      %dma_start3A_144 = arith.constant 0 : i32
      %dma_start3A_145 = tpu.memref_slice %arg4[%add3A_80, %dma_start3A_143, %dma_start3A_144] : memref<128x40x128xi32, #tpu.memory_space<hbm>> -> memref<1x40x128xi32, #tpu.memory_space<hbm>>
      %dma_start3A_146 = tpu.memref_squeeze %dma_start3A_145 : memref<1x40x128xi32, #tpu.memory_space<hbm>> -> memref<40x128xi32, #tpu.memory_space<hbm>>
      tpu.enqueue_dma source(%dma_start3A_146 : memref<40x128xi32, #tpu.memory_space<hbm>>) target(%arg9 : memref<40x128xi32, #tpu.memory_space<vmem>>) target_semaphore(%run_scoped3A : memref<!tpu.dma_semaphore, #tpu.memory_space<semaphore_mem>>)
      %dma_wait3A = arith.constant 0 : i32
      %dma_wait3A_147 = arith.constant 0 : i32
      %dma_wait3A_148 = tpu.memref_slice %arg4[%add3A_80, %dma_wait3A, %dma_wait3A_147] : memref<128x40x128xi32, #tpu.memory_space<hbm>> -> memref<1x40x128xi32, #tpu.memory_space<hbm>>
      %dma_wait3A_149 = tpu.memref_squeeze %dma_wait3A_148 : memref<1x40x128xi32, #tpu.memory_space<hbm>> -> memref<40x128xi32, #tpu.memory_space<hbm>>
      %dma_wait3A_150 = arith.constant 0 : i32
      %dma_wait3A_151 = arith.constant 0 : i32
      %dma_wait3A_152 = tpu.memref_slice %arg4[%add3A_80, %dma_wait3A_150, %dma_wait3A_151] : memref<128x40x128xi32, #tpu.memory_space<hbm>> -> memref<1x40x128xi32, #tpu.memory_space<hbm>>
      %dma_wait3A_153 = tpu.memref_squeeze %dma_wait3A_152 : memref<1x40x128xi32, #tpu.memory_space<hbm>> -> memref<40x128xi32, #tpu.memory_space<hbm>>
      tpu.wait_dma2 semaphore(%run_scoped3A : memref<!tpu.dma_semaphore, #tpu.memory_space<semaphore_mem>>) src(%dma_wait3A_153 : memref<40x128xi32, #tpu.memory_space<hbm>>) dst(%arg9 : memref<40x128xi32, #tpu.memory_space<vmem>>)
      tpu.yield
    }) : () -> ()
    %add3A_81 = arith.constant 16 : i32
    %add3A_82 = arith.addi %add3A_81, %arg1 : i32
    %mul3A_83 = arith.constant 2 : i32
    %mul3A_84 = arith.muli %add3A_82, %mul3A_83 : i32
    %add3A_85 = arith.constant 0 : i32
    %add3A_86 = arith.addi %mul3A_84, %add3A_85 : i32
    "tpu.region"() ({
      %run_scoped3A = tpu.sem_alloc : memref<!tpu.dma_semaphore, #tpu.memory_space<semaphore_mem>>
      %dma_start3A_139 = arith.constant 0 : i32
      %dma_start3A_140 = arith.constant 0 : i32
      %dma_start3A_141 = tpu.memref_slice %arg5[%add3A_86, %dma_start3A_139, %dma_start3A_140] : memref<64x40x128xi32, #tpu.memory_space<hbm>> -> memref<1x40x128xi32, #tpu.memory_space<hbm>>
      %dma_start3A_142 = tpu.memref_squeeze %dma_start3A_141 : memref<1x40x128xi32, #tpu.memory_space<hbm>> -> memref<40x128xi32, #tpu.memory_space<hbm>>
      %dma_start3A_143 = arith.constant 0 : i32
      %dma_start3A_144 = arith.constant 0 : i32
      %dma_start3A_145 = tpu.memref_slice %arg5[%add3A_86, %dma_start3A_143, %dma_start3A_144] : memref<64x40x128xi32, #tpu.memory_space<hbm>> -> memref<1x40x128xi32, #tpu.memory_space<hbm>>
      %dma_start3A_146 = tpu.memref_squeeze %dma_start3A_145 : memref<1x40x128xi32, #tpu.memory_space<hbm>> -> memref<40x128xi32, #tpu.memory_space<hbm>>
      tpu.enqueue_dma source(%dma_start3A_146 : memref<40x128xi32, #tpu.memory_space<hbm>>) target(%arg10 : memref<40x128xi32, #tpu.memory_space<vmem>>) target_semaphore(%run_scoped3A : memref<!tpu.dma_semaphore, #tpu.memory_space<semaphore_mem>>)
      %dma_wait3A = arith.constant 0 : i32
      %dma_wait3A_147 = arith.constant 0 : i32
      %dma_wait3A_148 = tpu.memref_slice %arg5[%add3A_86, %dma_wait3A, %dma_wait3A_147] : memref<64x40x128xi32, #tpu.memory_space<hbm>> -> memref<1x40x128xi32, #tpu.memory_space<hbm>>
      %dma_wait3A_149 = tpu.memref_squeeze %dma_wait3A_148 : memref<1x40x128xi32, #tpu.memory_space<hbm>> -> memref<40x128xi32, #tpu.memory_space<hbm>>
      %dma_wait3A_150 = arith.constant 0 : i32
      %dma_wait3A_151 = arith.constant 0 : i32
      %dma_wait3A_152 = tpu.memref_slice %arg5[%add3A_86, %dma_wait3A_150, %dma_wait3A_151] : memref<64x40x128xi32, #tpu.memory_space<hbm>> -> memref<1x40x128xi32, #tpu.memory_space<hbm>>
      %dma_wait3A_153 = tpu.memref_squeeze %dma_wait3A_152 : memref<1x40x128xi32, #tpu.memory_space<hbm>> -> memref<40x128xi32, #tpu.memory_space<hbm>>
      tpu.wait_dma2 semaphore(%run_scoped3A : memref<!tpu.dma_semaphore, #tpu.memory_space<semaphore_mem>>) src(%dma_wait3A_153 : memref<40x128xi32, #tpu.memory_space<hbm>>) dst(%arg10 : memref<40x128xi32, #tpu.memory_space<vmem>>)
      tpu.yield
    }) : () -> ()
    %dma_start3A_87 = arith.constant 0 : i32
    %dma_start3A_88 = arith.constant 0 : i32
    %dma_start3A_89 = tpu.memref_slice %arg9[%dma_start3A_87, %dma_start3A_88] : memref<40x128xi32, #tpu.memory_space<vmem>> -> memref<1x128xi32, #tpu.memory_space<vmem>>
    %dma_start3A_90 = tpu.memref_squeeze %dma_start3A_89 : memref<1x128xi32, #tpu.memory_space<vmem>> -> memref<128xi32, #tpu.memory_space<vmem>>
    %dma_start3A_91 = arith.constant 0 : i32
    %dma_start3A_92 = arith.constant 0 : i32
    %dma_start3A_93 = tpu.memref_slice %arg3[%dma_start3A_91, %dma_start3A_92] : memref<20000x128xf32, #tpu.memory_space<hbm>> -> memref<20000x128xf32, #tpu.memory_space<hbm>>
    tpu.enqueue_indirect_dma source(%dma_start3A_93 : memref<20000x128xf32, #tpu.memory_space<hbm>>) target(%arg11 : memref<128x128xf32, #tpu.memory_space<vmem>>) offsets(%dma_start3A_90 : memref<128xi32, #tpu.memory_space<vmem>>) semaphore(%arg13 : memref<!tpu.dma_semaphore, #tpu.memory_space<semaphore_mem>>)
    %scan3A_94 = arith.constant 0 : i32
    %scan3A_95 = arith.constant 0 : i32
    %scan3A_96 = arith.constant 20 : i32
    %scan3A_97 = arith.addi %scan3A_95, %scan3A_96 : i32
    %scan3A_98 = arith.constant 1 : i32
    scf.for %scan3A_139 = %scan3A_95 to %scan3A_97 step %scan3A_98  : i32 {
      %mul3A_140 = arith.constant 2 : i32
      %mul3A_141 = arith.muli %mul3A_140, %scan3A_139 : i32
      %dma_wait3A = arith.constant 0 : i32
      %dma_wait3A_142 = tpu.memref_slice %arg9[%mul3A_141, %dma_wait3A] : memref<40x128xi32, #tpu.memory_space<vmem>> -> memref<1x128xi32, #tpu.memory_space<vmem>>
      %dma_wait3A_143 = tpu.memref_squeeze %dma_wait3A_142 : memref<1x128xi32, #tpu.memory_space<vmem>> -> memref<128xi32, #tpu.memory_space<vmem>>
      %dma_wait3A_144 = arith.constant 0 : i32
      %dma_wait3A_145 = arith.constant 0 : i32
      %dma_wait3A_146 = tpu.memref_slice %arg3[%dma_wait3A_144, %dma_wait3A_145] : memref<20000x128xf32, #tpu.memory_space<hbm>> -> memref<20000x128xf32, #tpu.memory_space<hbm>>
      tpu.wait_indirect_dma semaphore(%arg13 : memref<!tpu.dma_semaphore, #tpu.memory_space<semaphore_mem>>) src(%dma_wait3A_146 : memref<20000x128xf32, #tpu.memory_space<hbm>>) dst(%arg11 : memref<128x128xf32, #tpu.memory_space<vmem>>)
      %add3A_147 = arith.constant 1 : i32
      %add3A_148 = arith.addi %mul3A_141, %add3A_147 : i32
      %dma_start3A_149 = arith.constant 0 : i32
      %dma_start3A_150 = tpu.memref_slice %arg9[%add3A_148, %dma_start3A_149] : memref<40x128xi32, #tpu.memory_space<vmem>> -> memref<1x128xi32, #tpu.memory_space<vmem>>
      %dma_start3A_151 = tpu.memref_squeeze %dma_start3A_150 : memref<1x128xi32, #tpu.memory_space<vmem>> -> memref<128xi32, #tpu.memory_space<vmem>>
      %dma_start3A_152 = arith.constant 0 : i32
      %dma_start3A_153 = arith.constant 0 : i32
      %dma_start3A_154 = tpu.memref_slice %arg3[%dma_start3A_152, %dma_start3A_153] : memref<20000x128xf32, #tpu.memory_space<hbm>> -> memref<20000x128xf32, #tpu.memory_space<hbm>>
      tpu.enqueue_indirect_dma source(%dma_start3A_154 : memref<20000x128xf32, #tpu.memory_space<hbm>>) target(%arg12 : memref<128x128xf32, #tpu.memory_space<vmem>>) offsets(%dma_start3A_151 : memref<128xi32, #tpu.memory_space<vmem>>) semaphore(%arg14 : memref<!tpu.dma_semaphore, #tpu.memory_space<semaphore_mem>>)
      "tpu.region"() ({
        %run_scoped3A = tpu.sem_alloc : memref<!tpu.dma_semaphore, #tpu.memory_space<semaphore_mem>>
        %dma_start3A_167 = arith.constant 0 : i32
        %dma_start3A_168 = tpu.memref_slice %arg10[%mul3A_141, %dma_start3A_167] : memref<40x128xi32, #tpu.memory_space<vmem>> -> memref<1x128xi32, #tpu.memory_space<vmem>>
        %dma_start3A_169 = tpu.memref_squeeze %dma_start3A_168 : memref<1x128xi32, #tpu.memory_space<vmem>> -> memref<128xi32, #tpu.memory_space<vmem>>
        %dma_start3A_170 = arith.constant 0 : i32
        %dma_start3A_171 = arith.constant 0 : i32
        %dma_start3A_172 = tpu.memref_slice %arg8[%dma_start3A_170, %dma_start3A_171] : memref<10240x128xf32, #tpu.memory_space<vmem_shared>> -> memref<10240x128xf32, #tpu.memory_space<vmem_shared>>
        tpu.enqueue_indirect_dma source(%arg11 : memref<128x128xf32, #tpu.memory_space<vmem>>) target(%dma_start3A_172 : memref<10240x128xf32, #tpu.memory_space<vmem_shared>>) offsets(%dma_start3A_169 : memref<128xi32, #tpu.memory_space<vmem>>) semaphore(%run_scoped3A : memref<!tpu.dma_semaphore, #tpu.memory_space<semaphore_mem>>) {add = true}
        %dma_wait3A_173 = arith.constant 0 : i32
        %dma_wait3A_174 = tpu.memref_slice %arg10[%mul3A_141, %dma_wait3A_173] : memref<40x128xi32, #tpu.memory_space<vmem>> -> memref<1x128xi32, #tpu.memory_space<vmem>>
        %dma_wait3A_175 = tpu.memref_squeeze %dma_wait3A_174 : memref<1x128xi32, #tpu.memory_space<vmem>> -> memref<128xi32, #tpu.memory_space<vmem>>
        %dma_wait3A_176 = arith.constant 0 : i32
        %dma_wait3A_177 = arith.constant 0 : i32
        %dma_wait3A_178 = tpu.memref_slice %arg8[%dma_wait3A_176, %dma_wait3A_177] : memref<10240x128xf32, #tpu.memory_space<vmem_shared>> -> memref<10240x128xf32, #tpu.memory_space<vmem_shared>>
        tpu.wait_indirect_dma semaphore(%run_scoped3A : memref<!tpu.dma_semaphore, #tpu.memory_space<semaphore_mem>>) src(%arg11 : memref<128x128xf32, #tpu.memory_space<vmem>>) dst(%dma_wait3A_178 : memref<10240x128xf32, #tpu.memory_space<vmem_shared>>)
        tpu.yield
      }) : () -> ()
      %add3A_155 = arith.constant 1 : i32
      %add3A_156 = arith.addi %mul3A_141, %add3A_155 : i32
      %dma_wait3A_157 = arith.constant 0 : i32
      %dma_wait3A_158 = tpu.memref_slice %arg9[%add3A_156, %dma_wait3A_157] : memref<40x128xi32, #tpu.memory_space<vmem>> -> memref<1x128xi32, #tpu.memory_space<vmem>>
      %dma_wait3A_159 = tpu.memref_squeeze %dma_wait3A_158 : memref<1x128xi32, #tpu.memory_space<vmem>> -> memref<128xi32, #tpu.memory_space<vmem>>
      %dma_wait3A_160 = arith.constant 0 : i32
      %dma_wait3A_161 = arith.constant 0 : i32
      %dma_wait3A_162 = tpu.memref_slice %arg3[%dma_wait3A_160, %dma_wait3A_161] : memref<20000x128xf32, #tpu.memory_space<hbm>> -> memref<20000x128xf32, #tpu.memory_space<hbm>>
      tpu.wait_indirect_dma semaphore(%arg14 : memref<!tpu.dma_semaphore, #tpu.memory_space<semaphore_mem>>) src(%dma_wait3A_162 : memref<20000x128xf32, #tpu.memory_space<hbm>>) dst(%arg12 : memref<128x128xf32, #tpu.memory_space<vmem>>)
      %lt3A = arith.constant 19 : i32
      %lt3A_163 = arith.cmpi slt, %scan3A_139, %lt3A : i32
      %convert_element_type3A = arith.extui %lt3A_163 : i1 to i32
      %cond3A = arith.constant 0 : i32
      %cond3A_164 = arith.cmpi ne, %convert_element_type3A, %cond3A : i32
      scf.if %cond3A_164 {
        %add3A_167 = arith.constant 2 : i32
        %add3A_168 = arith.addi %mul3A_141, %add3A_167 : i32
        %dma_start3A_169 = arith.constant 0 : i32
        %dma_start3A_170 = tpu.memref_slice %arg9[%add3A_168, %dma_start3A_169] : memref<40x128xi32, #tpu.memory_space<vmem>> -> memref<1x128xi32, #tpu.memory_space<vmem>>
        %dma_start3A_171 = tpu.memref_squeeze %dma_start3A_170 : memref<1x128xi32, #tpu.memory_space<vmem>> -> memref<128xi32, #tpu.memory_space<vmem>>
        %dma_start3A_172 = arith.constant 0 : i32
        %dma_start3A_173 = arith.constant 0 : i32
        %dma_start3A_174 = tpu.memref_slice %arg3[%dma_start3A_172, %dma_start3A_173] : memref<20000x128xf32, #tpu.memory_space<hbm>> -> memref<20000x128xf32, #tpu.memory_space<hbm>>
        tpu.enqueue_indirect_dma source(%dma_start3A_174 : memref<20000x128xf32, #tpu.memory_space<hbm>>) target(%arg11 : memref<128x128xf32, #tpu.memory_space<vmem>>) offsets(%dma_start3A_171 : memref<128xi32, #tpu.memory_space<vmem>>) semaphore(%arg13 : memref<!tpu.dma_semaphore, #tpu.memory_space<semaphore_mem>>)
      } else {
      }
      %add3A_165 = arith.constant 1 : i32
      %add3A_166 = arith.addi %mul3A_141, %add3A_165 : i32
      "tpu.region"() ({
        %run_scoped3A = tpu.sem_alloc : memref<!tpu.dma_semaphore, #tpu.memory_space<semaphore_mem>>
        %dma_start3A_167 = arith.constant 0 : i32
        %dma_start3A_168 = tpu.memref_slice %arg10[%add3A_166, %dma_start3A_167] : memref<40x128xi32, #tpu.memory_space<vmem>> -> memref<1x128xi32, #tpu.memory_space<vmem>>
        %dma_start3A_169 = tpu.memref_squeeze %dma_start3A_168 : memref<1x128xi32, #tpu.memory_space<vmem>> -> memref<128xi32, #tpu.memory_space<vmem>>
        %dma_start3A_170 = arith.constant 0 : i32
        %dma_start3A_171 = arith.constant 0 : i32
        %dma_start3A_172 = tpu.memref_slice %arg8[%dma_start3A_170, %dma_start3A_171] : memref<10240x128xf32, #tpu.memory_space<vmem_shared>> -> memref<10240x128xf32, #tpu.memory_space<vmem_shared>>
        tpu.enqueue_indirect_dma source(%arg12 : memref<128x128xf32, #tpu.memory_space<vmem>>) target(%dma_start3A_172 : memref<10240x128xf32, #tpu.memory_space<vmem_shared>>) offsets(%dma_start3A_169 : memref<128xi32, #tpu.memory_space<vmem>>) semaphore(%run_scoped3A : memref<!tpu.dma_semaphore, #tpu.memory_space<semaphore_mem>>) {add = true}
        %dma_wait3A_173 = arith.constant 0 : i32
        %dma_wait3A_174 = tpu.memref_slice %arg10[%add3A_166, %dma_wait3A_173] : memref<40x128xi32, #tpu.memory_space<vmem>> -> memref<1x128xi32, #tpu.memory_space<vmem>>
        %dma_wait3A_175 = tpu.memref_squeeze %dma_wait3A_174 : memref<1x128xi32, #tpu.memory_space<vmem>> -> memref<128xi32, #tpu.memory_space<vmem>>
        %dma_wait3A_176 = arith.constant 0 : i32
        %dma_wait3A_177 = arith.constant 0 : i32
        %dma_wait3A_178 = tpu.memref_slice %arg8[%dma_wait3A_176, %dma_wait3A_177] : memref<10240x128xf32, #tpu.memory_space<vmem_shared>> -> memref<10240x128xf32, #tpu.memory_space<vmem_shared>>
        tpu.wait_indirect_dma semaphore(%run_scoped3A : memref<!tpu.dma_semaphore, #tpu.memory_space<semaphore_mem>>) src(%arg12 : memref<128x128xf32, #tpu.memory_space<vmem>>) dst(%dma_wait3A_178 : memref<10240x128xf32, #tpu.memory_space<vmem_shared>>)
        tpu.yield
      }) : () -> ()
    }
    %scan3A_99 = arith.constant 20 : i32
    %add3A_100 = arith.constant 2 : i32
    %add3A_101 = arith.addi %add3A_100, %arg0 : i32
    %mul3A_102 = arith.constant 16 : i32
    %mul3A_103 = arith.muli %add3A_101, %mul3A_102 : i32
    %add3A_104 = arith.addi %mul3A_103, %arg1 : i32
    %mul3A_105 = arith.constant 2 : i32
    %mul3A_106 = arith.muli %add3A_104, %mul3A_105 : i32
    %add3A_107 = arith.constant 1 : i32
    %add3A_108 = arith.addi %mul3A_106, %add3A_107 : i32
    "tpu.region"() ({
      %run_scoped3A = tpu.sem_alloc : memref<!tpu.dma_semaphore, #tpu.memory_space<semaphore_mem>>
      %dma_start3A_139 = arith.constant 0 : i32
      %dma_start3A_140 = arith.constant 0 : i32
      %dma_start3A_141 = tpu.memref_slice %arg4[%add3A_108, %dma_start3A_139, %dma_start3A_140] : memref<128x40x128xi32, #tpu.memory_space<hbm>> -> memref<1x40x128xi32, #tpu.memory_space<hbm>>
      %dma_start3A_142 = tpu.memref_squeeze %dma_start3A_141 : memref<1x40x128xi32, #tpu.memory_space<hbm>> -> memref<40x128xi32, #tpu.memory_space<hbm>>
      %dma_start3A_143 = arith.constant 0 : i32
      %dma_start3A_144 = arith.constant 0 : i32
      %dma_start3A_145 = tpu.memref_slice %arg4[%add3A_108, %dma_start3A_143, %dma_start3A_144] : memref<128x40x128xi32, #tpu.memory_space<hbm>> -> memref<1x40x128xi32, #tpu.memory_space<hbm>>
      %dma_start3A_146 = tpu.memref_squeeze %dma_start3A_145 : memref<1x40x128xi32, #tpu.memory_space<hbm>> -> memref<40x128xi32, #tpu.memory_space<hbm>>
      tpu.enqueue_dma source(%dma_start3A_146 : memref<40x128xi32, #tpu.memory_space<hbm>>) target(%arg9 : memref<40x128xi32, #tpu.memory_space<vmem>>) target_semaphore(%run_scoped3A : memref<!tpu.dma_semaphore, #tpu.memory_space<semaphore_mem>>)
      %dma_wait3A = arith.constant 0 : i32
      %dma_wait3A_147 = arith.constant 0 : i32
      %dma_wait3A_148 = tpu.memref_slice %arg4[%add3A_108, %dma_wait3A, %dma_wait3A_147] : memref<128x40x128xi32, #tpu.memory_space<hbm>> -> memref<1x40x128xi32, #tpu.memory_space<hbm>>
      %dma_wait3A_149 = tpu.memref_squeeze %dma_wait3A_148 : memref<1x40x128xi32, #tpu.memory_space<hbm>> -> memref<40x128xi32, #tpu.memory_space<hbm>>
      %dma_wait3A_150 = arith.constant 0 : i32
      %dma_wait3A_151 = arith.constant 0 : i32
      %dma_wait3A_152 = tpu.memref_slice %arg4[%add3A_108, %dma_wait3A_150, %dma_wait3A_151] : memref<128x40x128xi32, #tpu.memory_space<hbm>> -> memref<1x40x128xi32, #tpu.memory_space<hbm>>
      %dma_wait3A_153 = tpu.memref_squeeze %dma_wait3A_152 : memref<1x40x128xi32, #tpu.memory_space<hbm>> -> memref<40x128xi32, #tpu.memory_space<hbm>>
      tpu.wait_dma2 semaphore(%run_scoped3A : memref<!tpu.dma_semaphore, #tpu.memory_space<semaphore_mem>>) src(%dma_wait3A_153 : memref<40x128xi32, #tpu.memory_space<hbm>>) dst(%arg9 : memref<40x128xi32, #tpu.memory_space<vmem>>)
      tpu.yield
    }) : () -> ()
    %add3A_109 = arith.constant 16 : i32
    %add3A_110 = arith.addi %add3A_109, %arg1 : i32
    %mul3A_111 = arith.constant 2 : i32
    %mul3A_112 = arith.muli %add3A_110, %mul3A_111 : i32
    %add3A_113 = arith.constant 1 : i32
    %add3A_114 = arith.addi %mul3A_112, %add3A_113 : i32
    "tpu.region"() ({
      %run_scoped3A = tpu.sem_alloc : memref<!tpu.dma_semaphore, #tpu.memory_space<semaphore_mem>>
      %dma_start3A_139 = arith.constant 0 : i32
      %dma_start3A_140 = arith.constant 0 : i32
      %dma_start3A_141 = tpu.memref_slice %arg5[%add3A_114, %dma_start3A_139, %dma_start3A_140] : memref<64x40x128xi32, #tpu.memory_space<hbm>> -> memref<1x40x128xi32, #tpu.memory_space<hbm>>
      %dma_start3A_142 = tpu.memref_squeeze %dma_start3A_141 : memref<1x40x128xi32, #tpu.memory_space<hbm>> -> memref<40x128xi32, #tpu.memory_space<hbm>>
      %dma_start3A_143 = arith.constant 0 : i32
      %dma_start3A_144 = arith.constant 0 : i32
      %dma_start3A_145 = tpu.memref_slice %arg5[%add3A_114, %dma_start3A_143, %dma_start3A_144] : memref<64x40x128xi32, #tpu.memory_space<hbm>> -> memref<1x40x128xi32, #tpu.memory_space<hbm>>
      %dma_start3A_146 = tpu.memref_squeeze %dma_start3A_145 : memref<1x40x128xi32, #tpu.memory_space<hbm>> -> memref<40x128xi32, #tpu.memory_space<hbm>>
      tpu.enqueue_dma source(%dma_start3A_146 : memref<40x128xi32, #tpu.memory_space<hbm>>) target(%arg10 : memref<40x128xi32, #tpu.memory_space<vmem>>) target_semaphore(%run_scoped3A : memref<!tpu.dma_semaphore, #tpu.memory_space<semaphore_mem>>)
      %dma_wait3A = arith.constant 0 : i32
      %dma_wait3A_147 = arith.constant 0 : i32
      %dma_wait3A_148 = tpu.memref_slice %arg5[%add3A_114, %dma_wait3A, %dma_wait3A_147] : memref<64x40x128xi32, #tpu.memory_space<hbm>> -> memref<1x40x128xi32, #tpu.memory_space<hbm>>
      %dma_wait3A_149 = tpu.memref_squeeze %dma_wait3A_148 : memref<1x40x128xi32, #tpu.memory_space<hbm>> -> memref<40x128xi32, #tpu.memory_space<hbm>>
      %dma_wait3A_150 = arith.constant 0 : i32
      %dma_wait3A_151 = arith.constant 0 : i32
      %dma_wait3A_152 = tpu.memref_slice %arg5[%add3A_114, %dma_wait3A_150, %dma_wait3A_151] : memref<64x40x128xi32, #tpu.memory_space<hbm>> -> memref<1x40x128xi32, #tpu.memory_space<hbm>>
      %dma_wait3A_153 = tpu.memref_squeeze %dma_wait3A_152 : memref<1x40x128xi32, #tpu.memory_space<hbm>> -> memref<40x128xi32, #tpu.memory_space<hbm>>
      tpu.wait_dma2 semaphore(%run_scoped3A : memref<!tpu.dma_semaphore, #tpu.memory_space<semaphore_mem>>) src(%dma_wait3A_153 : memref<40x128xi32, #tpu.memory_space<hbm>>) dst(%arg10 : memref<40x128xi32, #tpu.memory_space<vmem>>)
      tpu.yield
    }) : () -> ()
    %dma_start3A_115 = arith.constant 0 : i32
    %dma_start3A_116 = arith.constant 0 : i32
    %dma_start3A_117 = tpu.memref_slice %arg9[%dma_start3A_115, %dma_start3A_116] : memref<40x128xi32, #tpu.memory_space<vmem>> -> memref<1x128xi32, #tpu.memory_space<vmem>>
    %dma_start3A_118 = tpu.memref_squeeze %dma_start3A_117 : memref<1x128xi32, #tpu.memory_space<vmem>> -> memref<128xi32, #tpu.memory_space<vmem>>
    %dma_start3A_119 = arith.constant 0 : i32
    %dma_start3A_120 = arith.constant 0 : i32
    %dma_start3A_121 = tpu.memref_slice %arg3[%dma_start3A_119, %dma_start3A_120] : memref<20000x128xf32, #tpu.memory_space<hbm>> -> memref<20000x128xf32, #tpu.memory_space<hbm>>
    tpu.enqueue_indirect_dma source(%dma_start3A_121 : memref<20000x128xf32, #tpu.memory_space<hbm>>) target(%arg11 : memref<128x128xf32, #tpu.memory_space<vmem>>) offsets(%dma_start3A_118 : memref<128xi32, #tpu.memory_space<vmem>>) semaphore(%arg13 : memref<!tpu.dma_semaphore, #tpu.memory_space<semaphore_mem>>)
    %scan3A_122 = arith.constant 0 : i32
    %scan3A_123 = arith.constant 0 : i32
    %scan3A_124 = arith.constant 20 : i32
    %scan3A_125 = arith.addi %scan3A_123, %scan3A_124 : i32
    %scan3A_126 = arith.constant 1 : i32
    scf.for %scan3A_139 = %scan3A_123 to %scan3A_125 step %scan3A_126  : i32 {
      %mul3A_140 = arith.constant 2 : i32
      %mul3A_141 = arith.muli %mul3A_140, %scan3A_139 : i32
      %dma_wait3A = arith.constant 0 : i32
      %dma_wait3A_142 = tpu.memref_slice %arg9[%mul3A_141, %dma_wait3A] : memref<40x128xi32, #tpu.memory_space<vmem>> -> memref<1x128xi32, #tpu.memory_space<vmem>>
      %dma_wait3A_143 = tpu.memref_squeeze %dma_wait3A_142 : memref<1x128xi32, #tpu.memory_space<vmem>> -> memref<128xi32, #tpu.memory_space<vmem>>
      %dma_wait3A_144 = arith.constant 0 : i32
      %dma_wait3A_145 = arith.constant 0 : i32
      %dma_wait3A_146 = tpu.memref_slice %arg3[%dma_wait3A_144, %dma_wait3A_145] : memref<20000x128xf32, #tpu.memory_space<hbm>> -> memref<20000x128xf32, #tpu.memory_space<hbm>>
      tpu.wait_indirect_dma semaphore(%arg13 : memref<!tpu.dma_semaphore, #tpu.memory_space<semaphore_mem>>) src(%dma_wait3A_146 : memref<20000x128xf32, #tpu.memory_space<hbm>>) dst(%arg11 : memref<128x128xf32, #tpu.memory_space<vmem>>)
      %add3A_147 = arith.constant 1 : i32
      %add3A_148 = arith.addi %mul3A_141, %add3A_147 : i32
      %dma_start3A_149 = arith.constant 0 : i32
      %dma_start3A_150 = tpu.memref_slice %arg9[%add3A_148, %dma_start3A_149] : memref<40x128xi32, #tpu.memory_space<vmem>> -> memref<1x128xi32, #tpu.memory_space<vmem>>
      %dma_start3A_151 = tpu.memref_squeeze %dma_start3A_150 : memref<1x128xi32, #tpu.memory_space<vmem>> -> memref<128xi32, #tpu.memory_space<vmem>>
      %dma_start3A_152 = arith.constant 0 : i32
      %dma_start3A_153 = arith.constant 0 : i32
      %dma_start3A_154 = tpu.memref_slice %arg3[%dma_start3A_152, %dma_start3A_153] : memref<20000x128xf32, #tpu.memory_space<hbm>> -> memref<20000x128xf32, #tpu.memory_space<hbm>>
      tpu.enqueue_indirect_dma source(%dma_start3A_154 : memref<20000x128xf32, #tpu.memory_space<hbm>>) target(%arg12 : memref<128x128xf32, #tpu.memory_space<vmem>>) offsets(%dma_start3A_151 : memref<128xi32, #tpu.memory_space<vmem>>) semaphore(%arg14 : memref<!tpu.dma_semaphore, #tpu.memory_space<semaphore_mem>>)
      "tpu.region"() ({
        %run_scoped3A = tpu.sem_alloc : memref<!tpu.dma_semaphore, #tpu.memory_space<semaphore_mem>>
        %dma_start3A_167 = arith.constant 0 : i32
        %dma_start3A_168 = tpu.memref_slice %arg10[%mul3A_141, %dma_start3A_167] : memref<40x128xi32, #tpu.memory_space<vmem>> -> memref<1x128xi32, #tpu.memory_space<vmem>>
        %dma_start3A_169 = tpu.memref_squeeze %dma_start3A_168 : memref<1x128xi32, #tpu.memory_space<vmem>> -> memref<128xi32, #tpu.memory_space<vmem>>
        %dma_start3A_170 = arith.constant 0 : i32
        %dma_start3A_171 = arith.constant 0 : i32
        %dma_start3A_172 = tpu.memref_slice %arg8[%dma_start3A_170, %dma_start3A_171] : memref<10240x128xf32, #tpu.memory_space<vmem_shared>> -> memref<10240x128xf32, #tpu.memory_space<vmem_shared>>
        tpu.enqueue_indirect_dma source(%arg11 : memref<128x128xf32, #tpu.memory_space<vmem>>) target(%dma_start3A_172 : memref<10240x128xf32, #tpu.memory_space<vmem_shared>>) offsets(%dma_start3A_169 : memref<128xi32, #tpu.memory_space<vmem>>) semaphore(%run_scoped3A : memref<!tpu.dma_semaphore, #tpu.memory_space<semaphore_mem>>) {add = true}
        %dma_wait3A_173 = arith.constant 0 : i32
        %dma_wait3A_174 = tpu.memref_slice %arg10[%mul3A_141, %dma_wait3A_173] : memref<40x128xi32, #tpu.memory_space<vmem>> -> memref<1x128xi32, #tpu.memory_space<vmem>>
        %dma_wait3A_175 = tpu.memref_squeeze %dma_wait3A_174 : memref<1x128xi32, #tpu.memory_space<vmem>> -> memref<128xi32, #tpu.memory_space<vmem>>
        %dma_wait3A_176 = arith.constant 0 : i32
        %dma_wait3A_177 = arith.constant 0 : i32
        %dma_wait3A_178 = tpu.memref_slice %arg8[%dma_wait3A_176, %dma_wait3A_177] : memref<10240x128xf32, #tpu.memory_space<vmem_shared>> -> memref<10240x128xf32, #tpu.memory_space<vmem_shared>>
        tpu.wait_indirect_dma semaphore(%run_scoped3A : memref<!tpu.dma_semaphore, #tpu.memory_space<semaphore_mem>>) src(%arg11 : memref<128x128xf32, #tpu.memory_space<vmem>>) dst(%dma_wait3A_178 : memref<10240x128xf32, #tpu.memory_space<vmem_shared>>)
        tpu.yield
      }) : () -> ()
      %add3A_155 = arith.constant 1 : i32
      %add3A_156 = arith.addi %mul3A_141, %add3A_155 : i32
      %dma_wait3A_157 = arith.constant 0 : i32
      %dma_wait3A_158 = tpu.memref_slice %arg9[%add3A_156, %dma_wait3A_157] : memref<40x128xi32, #tpu.memory_space<vmem>> -> memref<1x128xi32, #tpu.memory_space<vmem>>
      %dma_wait3A_159 = tpu.memref_squeeze %dma_wait3A_158 : memref<1x128xi32, #tpu.memory_space<vmem>> -> memref<128xi32, #tpu.memory_space<vmem>>
      %dma_wait3A_160 = arith.constant 0 : i32
      %dma_wait3A_161 = arith.constant 0 : i32
      %dma_wait3A_162 = tpu.memref_slice %arg3[%dma_wait3A_160, %dma_wait3A_161] : memref<20000x128xf32, #tpu.memory_space<hbm>> -> memref<20000x128xf32, #tpu.memory_space<hbm>>
      tpu.wait_indirect_dma semaphore(%arg14 : memref<!tpu.dma_semaphore, #tpu.memory_space<semaphore_mem>>) src(%dma_wait3A_162 : memref<20000x128xf32, #tpu.memory_space<hbm>>) dst(%arg12 : memref<128x128xf32, #tpu.memory_space<vmem>>)
      %lt3A = arith.constant 19 : i32
      %lt3A_163 = arith.cmpi slt, %scan3A_139, %lt3A : i32
      %convert_element_type3A = arith.extui %lt3A_163 : i1 to i32
      %cond3A = arith.constant 0 : i32
      %cond3A_164 = arith.cmpi ne, %convert_element_type3A, %cond3A : i32
      scf.if %cond3A_164 {
        %add3A_167 = arith.constant 2 : i32
        %add3A_168 = arith.addi %mul3A_141, %add3A_167 : i32
        %dma_start3A_169 = arith.constant 0 : i32
        %dma_start3A_170 = tpu.memref_slice %arg9[%add3A_168, %dma_start3A_169] : memref<40x128xi32, #tpu.memory_space<vmem>> -> memref<1x128xi32, #tpu.memory_space<vmem>>
        %dma_start3A_171 = tpu.memref_squeeze %dma_start3A_170 : memref<1x128xi32, #tpu.memory_space<vmem>> -> memref<128xi32, #tpu.memory_space<vmem>>
        %dma_start3A_172 = arith.constant 0 : i32
        %dma_start3A_173 = arith.constant 0 : i32
        %dma_start3A_174 = tpu.memref_slice %arg3[%dma_start3A_172, %dma_start3A_173] : memref<20000x128xf32, #tpu.memory_space<hbm>> -> memref<20000x128xf32, #tpu.memory_space<hbm>>
        tpu.enqueue_indirect_dma source(%dma_start3A_174 : memref<20000x128xf32, #tpu.memory_space<hbm>>) target(%arg11 : memref<128x128xf32, #tpu.memory_space<vmem>>) offsets(%dma_start3A_171 : memref<128xi32, #tpu.memory_space<vmem>>) semaphore(%arg13 : memref<!tpu.dma_semaphore, #tpu.memory_space<semaphore_mem>>)
      } else {
      }
      %add3A_165 = arith.constant 1 : i32
      %add3A_166 = arith.addi %mul3A_141, %add3A_165 : i32
      "tpu.region"() ({
        %run_scoped3A = tpu.sem_alloc : memref<!tpu.dma_semaphore, #tpu.memory_space<semaphore_mem>>
        %dma_start3A_167 = arith.constant 0 : i32
        %dma_start3A_168 = tpu.memref_slice %arg10[%add3A_166, %dma_start3A_167] : memref<40x128xi32, #tpu.memory_space<vmem>> -> memref<1x128xi32, #tpu.memory_space<vmem>>
        %dma_start3A_169 = tpu.memref_squeeze %dma_start3A_168 : memref<1x128xi32, #tpu.memory_space<vmem>> -> memref<128xi32, #tpu.memory_space<vmem>>
        %dma_start3A_170 = arith.constant 0 : i32
        %dma_start3A_171 = arith.constant 0 : i32
        %dma_start3A_172 = tpu.memref_slice %arg8[%dma_start3A_170, %dma_start3A_171] : memref<10240x128xf32, #tpu.memory_space<vmem_shared>> -> memref<10240x128xf32, #tpu.memory_space<vmem_shared>>
        tpu.enqueue_indirect_dma source(%arg12 : memref<128x128xf32, #tpu.memory_space<vmem>>) target(%dma_start3A_172 : memref<10240x128xf32, #tpu.memory_space<vmem_shared>>) offsets(%dma_start3A_169 : memref<128xi32, #tpu.memory_space<vmem>>) semaphore(%run_scoped3A : memref<!tpu.dma_semaphore, #tpu.memory_space<semaphore_mem>>) {add = true}
        %dma_wait3A_173 = arith.constant 0 : i32
        %dma_wait3A_174 = tpu.memref_slice %arg10[%add3A_166, %dma_wait3A_173] : memref<40x128xi32, #tpu.memory_space<vmem>> -> memref<1x128xi32, #tpu.memory_space<vmem>>
        %dma_wait3A_175 = tpu.memref_squeeze %dma_wait3A_174 : memref<1x128xi32, #tpu.memory_space<vmem>> -> memref<128xi32, #tpu.memory_space<vmem>>
        %dma_wait3A_176 = arith.constant 0 : i32
        %dma_wait3A_177 = arith.constant 0 : i32
        %dma_wait3A_178 = tpu.memref_slice %arg8[%dma_wait3A_176, %dma_wait3A_177] : memref<10240x128xf32, #tpu.memory_space<vmem_shared>> -> memref<10240x128xf32, #tpu.memory_space<vmem_shared>>
        tpu.wait_indirect_dma semaphore(%run_scoped3A : memref<!tpu.dma_semaphore, #tpu.memory_space<semaphore_mem>>) src(%arg12 : memref<128x128xf32, #tpu.memory_space<vmem>>) dst(%dma_wait3A_178 : memref<10240x128xf32, #tpu.memory_space<vmem_shared>>)
        tpu.yield
      }) : () -> ()
    }
    %scan3A_127 = arith.constant 20 : i32
    %barrier3A_128 = arith.constant 0 : index
    tpu.barrier barrier_id(%barrier3A_128)
    %mul3A_129 = arith.constant 640 : i32
    %mul3A_130 = arith.muli %arg1, %mul3A_129 : i32
    %add3A_131 = arith.constant 2 : i32
    %add3A_132 = arith.addi %add3A_131, %arg0 : i32
    %mul3A_133 = arith.constant 10240 : i32
    %mul3A_134 = arith.muli %add3A_132, %mul3A_133 : i32
    %mul3A_135 = arith.constant 640 : i32
    %mul3A_136 = arith.muli %arg1, %mul3A_135 : i32
    %add3A_137 = arith.addi %mul3A_134, %mul3A_136 : i32
    "tpu.region"() ({
      %run_scoped3A = tpu.sem_alloc : memref<!tpu.dma_semaphore, #tpu.memory_space<semaphore_mem>>
      %dma_start3A_139 = arith.constant 0 : i32
      %dma_start3A_140 = tpu.memref_slice %arg7[%add3A_137, %dma_start3A_139] : memref<40960x128xf32, #tpu.memory_space<hbm>> -> memref<640x128xf32, #tpu.memory_space<hbm>>
      %dma_start3A_141 = arith.constant 0 : i32
      %dma_start3A_142 = tpu.memref_slice %arg8[%mul3A_130, %dma_start3A_141] : memref<10240x128xf32, #tpu.memory_space<vmem_shared>> -> memref<640x128xf32, #tpu.memory_space<vmem_shared>>
      tpu.enqueue_dma source(%dma_start3A_142 : memref<640x128xf32, #tpu.memory_space<vmem_shared>>) target(%dma_start3A_140 : memref<640x128xf32, #tpu.memory_space<hbm>>) target_semaphore(%run_scoped3A : memref<!tpu.dma_semaphore, #tpu.memory_space<semaphore_mem>>)
      %dma_wait3A = arith.constant 0 : i32
      %dma_wait3A_143 = tpu.memref_slice %arg7[%add3A_137, %dma_wait3A] : memref<40960x128xf32, #tpu.memory_space<hbm>> -> memref<640x128xf32, #tpu.memory_space<hbm>>
      %dma_wait3A_144 = arith.constant 0 : i32
      %dma_wait3A_145 = tpu.memref_slice %arg8[%mul3A_130, %dma_wait3A_144] : memref<10240x128xf32, #tpu.memory_space<vmem_shared>> -> memref<640x128xf32, #tpu.memory_space<vmem_shared>>
      tpu.wait_dma2 semaphore(%run_scoped3A : memref<!tpu.dma_semaphore, #tpu.memory_space<semaphore_mem>>) src(%dma_wait3A_145 : memref<640x128xf32, #tpu.memory_space<vmem_shared>>) dst(%dma_wait3A_143 : memref<640x128xf32, #tpu.memory_space<hbm>>)
      tpu.yield
    }) : () -> ()
    %barrier3A_138 = arith.constant 0 : index
    tpu.barrier barrier_id(%barrier3A_138)
    return
  }
}

module attributes {stable_mosaic.version = 14 : i64} {
  func.func @_prep_body(%arg0: i32, %arg1: memref<2000x256xf32, #tpu.memory_space<vmem>>, %arg2: memref<256x512xf32, #tpu.memory_space<vmem>>, %arg3: memref<2000x16xf32, #tpu.memory_space<vmem>>, %arg4: memref<2000x16xf32, #tpu.memory_space<vmem>>, %arg5: memref<2000x256xf32, #tpu.memory_space<vmem>>, %arg6: memref<2000x256xf32, #tpu.memory_space<vmem>>) attributes {dimension_semantics = [#tpu.dimension_semantics<arbitrary>], iteration_bounds = array<i64: 5>, scalar_prefetch = 0 : i64, scratch_operands = 0 : i64, tpu.core_type = #tpu.core_type<tc>, window_params = [{transform_indices = @transform_0, window_bounds = array<i64: 2000, 256>}, {pipeline_mode = #tpu.pipeline_mode<synchronous>, transform_indices = @transform_1, window_bounds = array<i64: 256, 512>}, {transform_indices = @transform_2, window_bounds = array<i64: 2000, 16>}, {transform_indices = @transform_3, window_bounds = array<i64: 2000, 16>}, {transform_indices = @transform_4, window_bounds = array<i64: 2000, 256>}, {transform_indices = @transform_5, window_bounds = array<i64: 2000, 256>}]} {
    %get3A = arith.constant 0 : index
    %get3A_0 = arith.constant 0 : index
    %get3A_1 = vector.load %arg1[%get3A, %get3A_0] : memref<2000x256xf32, #tpu.memory_space<vmem>>, vector<2000x256xf32>
    %get3A_2 = arith.constant 0 : index
    %get3A_3 = arith.constant 0 : index
    %get3A_4 = vector.load %arg2[%get3A_2, %get3A_3] : memref<256x512xf32, #tpu.memory_space<vmem>>, vector<256x512xf32>
    %dot_general3A = arith.constant dense<0.000000e+00> : vector<2000x512xf32>
    %dot_general3A_5 = tpu.matmul %get3A_1, %get3A_4, %dot_general3A {dimension_numbers = #tpu.dot_dimension_numbers<[1], [0], [0], [1], [0, 0, 1, 1], [], []>, transpose_lhs_hint = false} : vector<2000x256xf32>, vector<256x512xf32>, vector<2000x512xf32> -> vector<2000x512xf32>
    %get3A_6 = arith.constant 0 : index
    %get3A_7 = arith.constant 0 : index
    %get3A_8 = vector.load %arg3[%get3A_6, %get3A_7] : memref<2000x16xf32, #tpu.memory_space<vmem>>, vector<2000x16xf32>
    %slice3A = vector.extract_strided_slice %get3A_8 {offsets = [0, 0], sizes = [2000, 1], strides = [1, 1]} : vector<2000x16xf32> to vector<2000x1xf32>
    %add3A = arith.constant 1.000000e+00 : f32
    %add3A_9 = vector.broadcast %add3A : f32 to vector<2000x1xf32>
    %add3A_10 = arith.addf %slice3A, %add3A_9 : vector<2000x1xf32>
    %rsqrt3A = math.rsqrt %add3A_10 : vector<2000x1xf32>
    %get3A_11 = arith.constant 0 : index
    %get3A_12 = arith.constant 0 : index
    %get3A_13 = vector.load %arg4[%get3A_11, %get3A_12] : memref<2000x16xf32, #tpu.memory_space<vmem>>, vector<2000x16xf32>
    %slice3A_14 = vector.extract_strided_slice %get3A_13 {offsets = [0, 0], sizes = [2000, 1], strides = [1, 1]} : vector<2000x16xf32> to vector<2000x1xf32>
    %add3A_15 = arith.constant 1.000000e+00 : f32
    %add3A_16 = vector.broadcast %add3A_15 : f32 to vector<2000x1xf32>
    %add3A_17 = arith.addf %slice3A_14, %add3A_16 : vector<2000x1xf32>
    %rsqrt3A_18 = math.rsqrt %add3A_17 : vector<2000x1xf32>
    %slice3A_19 = vector.extract_strided_slice %dot_general3A_5 {offsets = [0, 0], sizes = [2000, 256], strides = [1, 1]} : vector<2000x512xf32> to vector<2000x256xf32>
    %mul3A = vector.broadcast %rsqrt3A : vector<2000x1xf32> to vector<2000x256xf32>
    %mul3A_20 = arith.mulf %slice3A_19, %mul3A : vector<2000x256xf32>
    %swap3A = arith.constant 0 : index
    %swap3A_21 = arith.constant 0 : index
    %swap3A_22 = vector.load %arg5[%swap3A, %swap3A_21] : memref<2000x256xf32, #tpu.memory_space<vmem>>, vector<2000x256xf32>
    tpu.vector_store %arg5[%swap3A, %swap3A_21], %mul3A_20 {strides = array<i32>} : memref<2000x256xf32, #tpu.memory_space<vmem>>, vector<2000x256xf32>,
    %slice3A_23 = vector.extract_strided_slice %dot_general3A_5 {offsets = [0, 256], sizes = [2000, 256], strides = [1, 1]} : vector<2000x512xf32> to vector<2000x256xf32>
    %mul3A_24 = vector.broadcast %rsqrt3A_18 : vector<2000x1xf32> to vector<2000x256xf32>
    %mul3A_25 = arith.mulf %slice3A_23, %mul3A_24 : vector<2000x256xf32>
    %swap3A_26 = arith.constant 0 : index
    %swap3A_27 = arith.constant 0 : index
    %swap3A_28 = vector.load %arg6[%swap3A_26, %swap3A_27] : memref<2000x256xf32, #tpu.memory_space<vmem>>, vector<2000x256xf32>
    tpu.vector_store %arg6[%swap3A_26, %swap3A_27], %mul3A_25 {strides = array<i32>} : memref<2000x256xf32, #tpu.memory_space<vmem>>, vector<2000x256xf32>,
    return
  }
  func.func @transform_0(%arg0: i32) -> (i32, i32) {
    %c0_i32 = arith.constant 0 : i32
    %c0_i32_0 = arith.constant 0 : i32
    return %arg0, %c0_i32 : i32, i32
  }
  func.func @transform_1(%arg0: i32) -> (i32, i32) {
    %c0_i32 = arith.constant 0 : i32
    %c0_i32_0 = arith.constant 0 : i32
    %c0_i32_1 = arith.constant 0 : i32
    return %c0_i32, %c0_i32_0 : i32, i32
  }
  func.func @transform_2(%arg0: i32) -> (i32, i32) {
    %c0_i32 = arith.constant 0 : i32
    %c0_i32_0 = arith.constant 0 : i32
    return %arg0, %c0_i32 : i32, i32
  }
  func.func @transform_3(%arg0: i32) -> (i32, i32) {
    %c0_i32 = arith.constant 0 : i32
    %c0_i32_0 = arith.constant 0 : i32
    return %arg0, %c0_i32 : i32, i32
  }
  func.func @transform_4(%arg0: i32) -> (i32, i32) {
    %c0_i32 = arith.constant 0 : i32
    %c0_i32_0 = arith.constant 0 : i32
    return %arg0, %c0_i32 : i32, i32
  }
  func.func @transform_5(%arg0: i32) -> (i32, i32) {
    %c0_i32 = arith.constant 0 : i32
    %c0_i32_0 = arith.constant 0 : i32
    return %arg0, %c0_i32 : i32, i32
  }
}

module attributes {stable_mosaic.version = 14 : i64} {
  func.func @_final_body(%arg0: i32, %arg1: memref<2000x256xf32, #tpu.memory_space<vmem>>, %arg2: memref<2000x256xf32, #tpu.memory_space<vmem>>, %arg3: memref<2x2x2000x128xf32, #tpu.memory_space<vmem>>, %arg4: memref<2000x16xf32, #tpu.memory_space<vmem>>, %arg5: memref<2000x16xf32, #tpu.memory_space<vmem>>, %arg6: memref<1x256xf32, #tpu.memory_space<vmem>>, %arg7: memref<1x256xf32, #tpu.memory_space<vmem>>, %arg8: memref<256x256xf32, #tpu.memory_space<vmem>>, %arg9: memref<256x256xf32, #tpu.memory_space<vmem>>, %arg10: memref<1x256xf32, #tpu.memory_space<vmem>>, %arg11: memref<2000x256xf32, #tpu.memory_space<vmem>>) attributes {dimension_semantics = [#tpu.dimension_semantics<arbitrary>], iteration_bounds = array<i64: 5>, scalar_prefetch = 0 : i64, scratch_operands = 0 : i64, tpu.core_type = #tpu.core_type<tc>, window_params = [{transform_indices = @transform_0, window_bounds = array<i64: 2000, 256>}, {transform_indices = @transform_1, window_bounds = array<i64: 2000, 256>}, {transform_indices = @transform_2, window_bounds = array<i64: 2, 2, 2000, 128>}, {transform_indices = @transform_3, window_bounds = array<i64: 2000, 16>}, {transform_indices = @transform_4, window_bounds = array<i64: 2000, 16>}, {pipeline_mode = #tpu.pipeline_mode<synchronous>, transform_indices = @transform_5, window_bounds = array<i64: 1, 256>}, {pipeline_mode = #tpu.pipeline_mode<synchronous>, transform_indices = @transform_6, window_bounds = array<i64: 1, 256>}, {pipeline_mode = #tpu.pipeline_mode<synchronous>, transform_indices = @transform_7, window_bounds = array<i64: 256, 256>}, {pipeline_mode = #tpu.pipeline_mode<synchronous>, transform_indices = @transform_8, window_bounds = array<i64: 256, 256>}, {pipeline_mode = #tpu.pipeline_mode<synchronous>, transform_indices = @transform_9, window_bounds = array<i64: 1, 256>}, {transform_indices = @transform_10, window_bounds = array<i64: 2000, 256>}]} {
    %get3A = arith.constant 0 : index
    %get3A_0 = arith.constant 0 : index
    %get3A_1 = vector.load %arg4[%get3A, %get3A_0] : memref<2000x16xf32, #tpu.memory_space<vmem>>, vector<2000x16xf32>
    %slice3A = vector.extract_strided_slice %get3A_1 {offsets = [0, 0], sizes = [2000, 1], strides = [1, 1]} : vector<2000x16xf32> to vector<2000x1xf32>
    %add3A = arith.constant 1.000000e+00 : f32
    %add3A_2 = vector.broadcast %add3A : f32 to vector<2000x1xf32>
    %add3A_3 = arith.addf %slice3A, %add3A_2 : vector<2000x1xf32>
    %rsqrt3A = math.rsqrt %add3A_3 : vector<2000x1xf32>
    %get3A_4 = arith.constant 0 : index
    %get3A_5 = arith.constant 0 : index
    %get3A_6 = vector.load %arg5[%get3A_4, %get3A_5] : memref<2000x16xf32, #tpu.memory_space<vmem>>, vector<2000x16xf32>
    %slice3A_7 = vector.extract_strided_slice %get3A_6 {offsets = [0, 0], sizes = [2000, 1], strides = [1, 1]} : vector<2000x16xf32> to vector<2000x1xf32>
    %add3A_8 = arith.constant 1.000000e+00 : f32
    %add3A_9 = vector.broadcast %add3A_8 : f32 to vector<2000x1xf32>
    %add3A_10 = arith.addf %slice3A_7, %add3A_9 : vector<2000x1xf32>
    %rsqrt3A_11 = math.rsqrt %add3A_10 : vector<2000x1xf32>
    %get3A_12 = arith.constant 0 : index
    %get3A_13 = arith.constant 0 : index
    %get3A_14 = arith.constant 0 : index
    %get3A_15 = arith.constant 0 : index
    %get3A_16 = vector.load %arg3[%get3A_12, %get3A_13, %get3A_14, %get3A_15] : memref<2x2x2000x128xf32, #tpu.memory_space<vmem>>, vector<2x2x2000x128xf32>
    %slice3A_17 = vector.extract_strided_slice %get3A_16 {offsets = [0, 0, 0, 0], sizes = [1, 1, 2000, 128], strides = [1, 1, 1, 1]} : vector<2x2x2000x128xf32> to vector<1x1x2000x128xf32>
    %squeeze3A = vector.shape_cast %slice3A_17 : vector<1x1x2000x128xf32> to vector<2000x128xf32>
    %slice3A_18 = vector.extract_strided_slice %get3A_16 {offsets = [0, 1, 0, 0], sizes = [1, 1, 2000, 128], strides = [1, 1, 1, 1]} : vector<2x2x2000x128xf32> to vector<1x1x2000x128xf32>
    %squeeze3A_19 = vector.shape_cast %slice3A_18 : vector<1x1x2000x128xf32> to vector<2000x128xf32>
    %concatenate3A = tpu.concatenate %squeeze3A, %squeeze3A_19 in 1 : vector<2000x128xf32>, vector<2000x128xf32> -> vector<2000x256xf32>
    %slice3A_20 = vector.extract_strided_slice %get3A_16 {offsets = [1, 0, 0, 0], sizes = [1, 1, 2000, 128], strides = [1, 1, 1, 1]} : vector<2x2x2000x128xf32> to vector<1x1x2000x128xf32>
    %squeeze3A_21 = vector.shape_cast %slice3A_20 : vector<1x1x2000x128xf32> to vector<2000x128xf32>
    %slice3A_22 = vector.extract_strided_slice %get3A_16 {offsets = [1, 1, 0, 0], sizes = [1, 1, 2000, 128], strides = [1, 1, 1, 1]} : vector<2x2x2000x128xf32> to vector<1x1x2000x128xf32>
    %squeeze3A_23 = vector.shape_cast %slice3A_22 : vector<1x1x2000x128xf32> to vector<2000x128xf32>
    %concatenate3A_24 = tpu.concatenate %squeeze3A_21, %squeeze3A_23 in 1 : vector<2000x128xf32>, vector<2000x128xf32> -> vector<2000x256xf32>
    %get3A_25 = arith.constant 0 : index
    %get3A_26 = arith.constant 0 : index
    %get3A_27 = vector.load %arg1[%get3A_25, %get3A_26] : memref<2000x256xf32, #tpu.memory_space<vmem>>, vector<2000x256xf32>
    %add3A_28 = arith.addf %get3A_27, %concatenate3A : vector<2000x256xf32>
    %mul3A = vector.broadcast %rsqrt3A : vector<2000x1xf32> to vector<2000x256xf32>
    %mul3A_29 = arith.mulf %add3A_28, %mul3A : vector<2000x256xf32>
    %get3A_30 = arith.constant 0 : index
    %get3A_31 = arith.constant 0 : index
    %get3A_32 = vector.load %arg6[%get3A_30, %get3A_31] : memref<1x256xf32, #tpu.memory_space<vmem>>, vector<1x256xf32>
    %add3A_33 = vector.broadcast %get3A_32 : vector<1x256xf32> to vector<2000x256xf32>
    %add3A_34 = arith.addf %mul3A_29, %add3A_33 : vector<2000x256xf32>
    %max3A = arith.constant 0.000000e+00 : f32
    %max3A_35 = vector.broadcast %max3A : f32 to vector<2000x256xf32>
    %max3A_36 = arith.maximumf %add3A_34, %max3A_35 : vector<2000x256xf32>
    %get3A_37 = arith.constant 0 : index
    %get3A_38 = arith.constant 0 : index
    %get3A_39 = vector.load %arg2[%get3A_37, %get3A_38] : memref<2000x256xf32, #tpu.memory_space<vmem>>, vector<2000x256xf32>
    %add3A_40 = arith.addf %get3A_39, %concatenate3A_24 : vector<2000x256xf32>
    %mul3A_41 = vector.broadcast %rsqrt3A_11 : vector<2000x1xf32> to vector<2000x256xf32>
    %mul3A_42 = arith.mulf %add3A_40, %mul3A_41 : vector<2000x256xf32>
    %get3A_43 = arith.constant 0 : index
    %get3A_44 = arith.constant 0 : index
    %get3A_45 = vector.load %arg7[%get3A_43, %get3A_44] : memref<1x256xf32, #tpu.memory_space<vmem>>, vector<1x256xf32>
    %add3A_46 = vector.broadcast %get3A_45 : vector<1x256xf32> to vector<2000x256xf32>
    %add3A_47 = arith.addf %mul3A_42, %add3A_46 : vector<2000x256xf32>
    %max3A_48 = arith.constant 0.000000e+00 : f32
    %max3A_49 = vector.broadcast %max3A_48 : f32 to vector<2000x256xf32>
    %max3A_50 = arith.maximumf %add3A_47, %max3A_49 : vector<2000x256xf32>
    %get3A_51 = arith.constant 0 : index
    %get3A_52 = arith.constant 0 : index
    %get3A_53 = vector.load %arg8[%get3A_51, %get3A_52] : memref<256x256xf32, #tpu.memory_space<vmem>>, vector<256x256xf32>
    %dot_general3A = arith.constant dense<0.000000e+00> : vector<2000x256xf32>
    %dot_general3A_54 = tpu.matmul %max3A_36, %get3A_53, %dot_general3A {dimension_numbers = #tpu.dot_dimension_numbers<[1], [0], [0], [1], [0, 0, 1, 1], [], []>, transpose_lhs_hint = false} : vector<2000x256xf32>, vector<256x256xf32>, vector<2000x256xf32> -> vector<2000x256xf32>
    %get3A_55 = arith.constant 0 : index
    %get3A_56 = arith.constant 0 : index
    %get3A_57 = vector.load %arg9[%get3A_55, %get3A_56] : memref<256x256xf32, #tpu.memory_space<vmem>>, vector<256x256xf32>
    %dot_general3A_58 = arith.constant dense<0.000000e+00> : vector<2000x256xf32>
    %dot_general3A_59 = tpu.matmul %max3A_50, %get3A_57, %dot_general3A_58 {dimension_numbers = #tpu.dot_dimension_numbers<[1], [0], [0], [1], [0, 0, 1, 1], [], []>, transpose_lhs_hint = false} : vector<2000x256xf32>, vector<256x256xf32>, vector<2000x256xf32> -> vector<2000x256xf32>
    %add3A_60 = arith.addf %dot_general3A_54, %dot_general3A_59 : vector<2000x256xf32>
    %get3A_61 = arith.constant 0 : index
    %get3A_62 = arith.constant 0 : index
    %get3A_63 = vector.load %arg10[%get3A_61, %get3A_62] : memref<1x256xf32, #tpu.memory_space<vmem>>, vector<1x256xf32>
    %add3A_64 = vector.broadcast %get3A_63 : vector<1x256xf32> to vector<2000x256xf32>
    %add3A_65 = arith.addf %add3A_60, %add3A_64 : vector<2000x256xf32>
    %max3A_66 = arith.constant 0.000000e+00 : f32
    %max3A_67 = vector.broadcast %max3A_66 : f32 to vector<2000x256xf32>
    %max3A_68 = arith.maximumf %add3A_65, %max3A_67 : vector<2000x256xf32>
    %swap3A = arith.constant 0 : index
    %swap3A_69 = arith.constant 0 : index
    %swap3A_70 = vector.load %arg11[%swap3A, %swap3A_69] : memref<2000x256xf32, #tpu.memory_space<vmem>>, vector<2000x256xf32>
    tpu.vector_store %arg11[%swap3A, %swap3A_69], %max3A_68 {strides = array<i32>} : memref<2000x256xf32, #tpu.memory_space<vmem>>, vector<2000x256xf32>,
    return
  }
  func.func @transform_0(%arg0: i32) -> (i32, i32) {
    %c0_i32 = arith.constant 0 : i32
    %c0_i32_0 = arith.constant 0 : i32
    return %arg0, %c0_i32 : i32, i32
  }
  func.func @transform_1(%arg0: i32) -> (i32, i32) {
    %c0_i32 = arith.constant 0 : i32
    %c0_i32_0 = arith.constant 0 : i32
    return %arg0, %c0_i32 : i32, i32
  }
  func.func @transform_2(%arg0: i32) -> (i32, i32, i32, i32) {
    %c0_i32 = arith.constant 0 : i32
    %c0_i32_0 = arith.constant 0 : i32
    %c0_i32_1 = arith.constant 0 : i32
    %c0_i32_2 = arith.constant 0 : i32
    return %c0_i32, %c0_i32_0, %arg0, %c0_i32_1 : i32, i32, i32, i32
  }
  func.func @transform_3(%arg0: i32) -> (i32, i32) {
    %c0_i32 = arith.constant 0 : i32
    %c0_i32_0 = arith.constant 0 : i32
    return %arg0, %c0_i32 : i32, i32
  }
  func.func @transform_4(%arg0: i32) -> (i32, i32) {
    %c0_i32 = arith.constant 0 : i32
    %c0_i32_0 = arith.constant 0 : i32
    return %arg0, %c0_i32 : i32, i32
  }
  func.func @transform_5(%arg0: i32) -> (i32, i32) {
    %c0_i32 = arith.constant 0 : i32
    %c0_i32_0 = arith.constant 0 : i32
    %c0_i32_1 = arith.constant 0 : i32
    return %c0_i32, %c0_i32_0 : i32, i32
  }
  func.func @transform_6(%arg0: i32) -> (i32, i32) {
    %c0_i32 = arith.constant 0 : i32
    %c0_i32_0 = arith.constant 0 : i32
    %c0_i32_1 = arith.constant 0 : i32
    return %c0_i32, %c0_i32_0 : i32, i32
  }
  func.func @transform_7(%arg0: i32) -> (i32, i32) {
    %c0_i32 = arith.constant 0 : i32
    %c0_i32_0 = arith.constant 0 : i32
    %c0_i32_1 = arith.constant 0 : i32
    return %c0_i32, %c0_i32_0 : i32, i32
  }
  func.func @transform_8(%arg0: i32) -> (i32, i32) {
    %c0_i32 = arith.constant 0 : i32
    %c0_i32_0 = arith.constant 0 : i32
    %c0_i32_1 = arith.constant 0 : i32
    return %c0_i32, %c0_i32_0 : i32, i32
  }
  func.func @transform_9(%arg0: i32) -> (i32, i32) {
    %c0_i32 = arith.constant 0 : i32
    %c0_i32_0 = arith.constant 0 : i32
    %c0_i32_1 = arith.constant 0 : i32
    return %c0_i32, %c0_i32_0 : i32, i32
  }
  func.func @transform_10(%arg0: i32) -> (i32, i32) {
    %c0_i32 = arith.constant 0 : i32
    %c0_i32_0 = arith.constant 0 : i32
    return %arg0, %c0_i32 : i32, i32
  }
}

</mosaic_0001>

<sc_bundles>
// kernel: kernel.6.cloned.1.call-start
scs
__scs_entry_jumppad:
0x0: {  	(pc) =	sbr.rel $0x88, $3  }
0x1: {  	(tag) =	ssettag $0x0;
	lr =	simm.s32 $0x1  }
0x2: {  	[smem:$0x3F98] =	sst lr;
	_ =	strace $0xD0000000  }
0x3: {  	_ = 	snop  }
0x4: {  	_ = 	snop  }
0x5: {  	_ = 	snop  }
0x6: {  	_ = 	snop  }
0x7: {  	_ = 	snop  }
__scs_overlays_trampoline_lowered:
0x8: {  	[smem:$0x3FA7] =	sst s0  }
0x9: {  	[smem:$0x3FA8] =	sst s1  }
0xa: {  	[smem:$0x3FA9] =	sst s2  }
0xb: {  	[smem:$0x3FAA] =	sst s3  }
0xc: {  	[smem:$0x3FAB] =	sst s4  }
0xd: {  	[smem:$0x3FAC] =	sst s5  }
0xe: {  	[smem:$0x3FAD] =	sst s6  }
0xf: {  	[smem:$0x3FAE] =	sst s7  }
0x10: {  	[smem:$0x3FAF] =	sst s8  }
0x11: {  	[smem:$0x3FB0] =	sst s9;
	s0 =	simm.s32 @!p0 $0x0  }
0x12: {  	s1 =	sld [smem:$0x3F96];
	s0 =	simm.s32 @p0 $0x1  }
0x13: {  	[smem:$0x3FB1] =	sst s0;
	s0 =	simm.s32 @!p1 $0x0  }
0x14: {  	s2 =	sld [smem:$0x3F95];
	s0 =	simm.s32 @p1 $0x1  }
0x15: {  	[smem:$0x3FB2] =	sst s0;
	s0 =	simm.s32 @!p2 $0x0  }
0x16: {  	s3 =	sld [smem:$0x3FDB];
	s0 =	simm.s32 @p2 $0x1  }
0x17: {  	s4 =	simm.s32 $0x1BF5;
	[smem:$0x3FB4] =	sst s0  }
0x18: {  	s0 =	sld [smem:$0x3F97];
	_ =	swait.ge [sflag:s4], $0x0  }
0x19: {  	s7 =	sld [smem:$0x3F98]  }
0x1a: {  	s8 =	sadd.s32 $0xFFFFE003, lr  }
0x1b: {  	s9 =	sadd.s32 $0xFFFFFEF7, lr;
	s5 =	simm.s32 $0xFFFFFFFF;
	p2 =	slt.u32 s8, $0xFFFFF086  }
0x1c: {  	p1 =	slt.u32 s9, $0xF7A;
	s5 =	simm.s32 @!p2 $0x0  }
0x1d: {  	s5 =	simm.s32 @p1 $0x1;
	p0 =	seq.s32 s7, s2  }
0x1e: {  	s7 =	smul.u32 @!p0 $0xF7A, s2;
	p2 =	seq.s32 @!p0 s5, $0x0  }
0x1f: {  	s9 =	smul.u32 $0xF7A, s1;
	s8 =	simm.s32 @!p0 $0x1BF5;
	p2 =	por !p2, p0  }
0x20: {  	[sflag:s8] =	ssyncset.s32 @!p0 $0xFFFFF086;
	s6 =	sadd.s32 @!p0 s3, s7;
	s7 =	simm.s32 @!p0 $0x108  }
0x21: {  	s3 =	sadd.s32 s3, s9;
	s6 =	sadd.s32 @!p0 $0x88, s6;
	s7 =	simm.s32 @p2 $0x1082  }
0x22: {  	[simem:s7], [sflag:s8] =	dma.local @!p0 [hbm:s6], $0xF7A  }
0x23: {  	s9 =	sor.u32 $0xD0000000, s2;
	s6 =	simm.s32 $0x108;
	_ =	swait.ge @!p0 [sflag:s8], $0x0  }
0x24: {  	s3 =	sadd.s32 $0x88, s3;
	s6 =	simm.s32 @!p1 $0x1082;
	[sflag:s4] =	ssyncset.s32 $0xFFFFF086  }
0x25: {  	[simem:s6], [sflag:s4] =	dma.local [hbm:s3], $0xF7A  }
0x26: {  	[smem:$0x3F98] =	sst s1;
	(tag) =	ssettag s2;
	_ =	strace s9  }
0x27: {  	s1 =	sld [smem:$0x3FA8]  }
0x28: {  	s2 =	sld [smem:$0x3FA9]  }
0x29: {  	s4 =	sld [smem:$0x3FAB]  }
0x2a: {  	p0 =	seq.s32 s5, $0x0;
	s5 =	sld [smem:$0x3FAC]  }
0x2b: {  	s6 =	sld [smem:$0x3FAD]  }
0x2c: {  	s7 =	sld [smem:$0x3FAE]  }
0x2d: {  	s3 =	simm.s32 $0x108;
	s8 =	sld [smem:$0x3FAF]  }
0x2e: {  	s3 =	simm.s32 @!p0 $0x1082;
	s9 =	sld [smem:$0x3FB0]  }
0x2f: {  	lr =	sadd.s32 s0, s3;
	s0 =	sld [smem:$0x3FA7]  }
0x30: {  	s3 =	sld [smem:$0x3FAA]  }
0x31: {  	[smem:$0x3FB3] =	sst s10  }
0x32: {  	s10 =	sld [smem:$0x3FB1];
	_ =	sdelay $0x3  }
0x33: {  	p0 =	seq.s32 s10, $0x1;
	s10 =	sld [smem:$0x3FB3];
	_ =	sdelay $0x3  }
0x34: {  	[smem:$0x3FB3] =	sst s10  }
0x35: {  	s10 =	sld [smem:$0x3FB2];
	_ =	sdelay $0x3  }
0x36: {  	p1 =	seq.s32 s10, $0x1;
	s10 =	sld [smem:$0x3FB3];
	_ =	sdelay $0x3  }
0x37: {  	[smem:$0x3FB3] =	sst s10  }
0x38: {  	s10 =	sld [smem:$0x3FB4]  }
0x39: {  	_ = 	snop;
	(pc) =	sbr.ind lr, $3  }
0x3a: {  	_ = 	snop  }
0x3b: {  	_ = 	snop  }
0x3c: {  	p2 =	seq.s32 s10, $0x1;
	s10 =	sld [smem:$0x3FB3]  }
0x3d: {  	_ =	shalt  }
0x3e: {  	_ =	shalt  }
0x3f: {  	_ =	shalt  }
0x40: {  	_ =	shalt  }
0x41: {  	_ =	shalt  }
0x42: {  	_ =	shalt  }
0x43: {  	_ =	shalt  }
0x44: {  	_ =	shalt  }
0x45: {  	_ =	shalt  }
0x46: {  	_ =	shalt  }
0x47: {  	_ =	shalt  }
0x48: {  	_ =	shalt  }
0x49: {  	_ =	shalt  }
0x4a: {  	_ =	shalt  }
0x4b: {  	_ =	shalt  }
0x4c: {  	_ =	shalt  }
0x4d: {  	_ =	shalt  }
0x4e: {  	_ =	shalt  }
0x4f: {  	_ =	shalt  }
0x50: {  	_ =	shalt  }
0x51: {  	_ =	shalt  }
0x52: {  	_ =	shalt  }
0x53: {  	_ =	shalt  }
0x54: {  	_ =	shalt  }
0x55: {  	_ =	shalt  }
0x56: {  	_ =	shalt  }
0x57: {  	_ =	shalt  }
0x58: {  	_ =	shalt  }
0x59: {  	_ =	shalt  }
0x5a: {  	_ =	shalt  }
0x5b: {  	_ =	shalt  }
0x5c: {  	_ =	shalt  }
0x5d: {  	_ =	shalt  }
0x5e: {  	_ =	shalt  }
0x5f: {  	_ =	shalt  }
0x60: {  	_ =	shalt  }
0x61: {  	_ =	shalt  }
0x62: {  	_ =	shalt  }
0x63: {  	_ =	shalt  }
0x64: {  	_ =	shalt  }
0x65: {  	_ =	shalt  }
0x66: {  	_ =	shalt  }
0x67: {  	_ =	shalt  }
0x68: {  	_ =	shalt  }
0x69: {  	_ =	shalt  }
0x6a: {  	_ =	shalt  }
0x6b: {  	_ =	shalt  }
0x6c: {  	_ =	shalt  }
0x6d: {  	_ =	shalt  }
0x6e: {  	_ =	shalt  }
0x6f: {  	_ =	shalt  }
0x70: {  	_ =	shalt  }
0x71: {  	_ =	shalt  }
0x72: {  	_ =	shalt  }
0x73: {  	_ =	shalt  }
0x74: {  	_ =	shalt  }
0x75: {  	_ =	shalt  }
0x76: {  	_ =	shalt  }
0x77: {  	_ =	shalt  }
0x78: {  	_ =	shalt  }
0x79: {  	_ =	shalt  }
0x7a: {  	_ =	shalt  }
0x7b: {  	_ =	shalt  }
0x7c: {  	_ =	shalt  }
0x7d: {  	_ =	shalt  }
0x7e: {  	_ =	shalt  }
0x7f: {  	_ =	shalt  }
0x80: {  	_ =	shalt  }
0x81: {  	_ =	shalt  }
0x82: {  	_ =	shalt  }
0x83: {  	_ =	shalt  }
0x84: {  	_ =	shalt  }
0x85: {  	_ =	shalt  }
0x86: {  	_ =	shalt  }
0x87: {  	_ =	shalt  }
.Lfunc_end0:
.L_simem_size_0:
called_computation_lowered:
.L_overlay_start_0:
0x88: {  	s2 =	sld [smem:$0x3FD9]  }
0x89: {  	s3 =	sld [smem:$0x3FFE];
	_ =	sdelay $0x1  }
0x8a: {  	s1 =	srdreg.scid  }
0x8b: {  	s0 =	sand.u32 $0x1, s1  }
0x8c: {  	s17 =	sshll.u32 s0, $0xA;
	s2 =	sadd.s32 s3, s2  }
0x8d: {  	s2 =	sadd.s32 s2, s17  }
0x8e: {  	[smem:$0x3FBF] =	sst s2  }
0x8f: {  	_ = 	snop  }
0x90: {  	s2 =	sld [smem:$0x3FD0];
	(tm) =	ssettm $0x1  }
0x91: {  	s18 =	sld [smem:$0x3FFB];
	_ =	sdelay $0x3  }
0x92: {  	_ =	strace s18  }
0x93: {  	s3 =	sld [smem:$0x3FFC];
	_ =	sdelay $0x3  }
0x94: {  	_ =	strace s3  }
0x95: {  	s3 =	sld [smem:$0x3FFD];
	_ =	sdelay $0x3  }
0x96: {  	_ =	strace s3  }
0x97: {  	_ =	strace $0x8FFFFFFF  }
0x98: {  	s19 =	sld [smem:$0x3FDB];
	_ =	sdelay $0x1  }
0x99: {  	s4 =	simm.s32 $_scs_section_size  }
0x9a: {  	s5 =	simm.s32 $_size__tile_overlayer_lowered;
	s6 =	simm.s32 $_tile_overlayer_lowered  }
0x9b: {  	s22 =	simm.s32 $0x1BFF;
	s21 =	sshll.u32 s6, $0x1;
	s3 =	sadd.s32 s4, s19  }
0x9c: {  	s7 =	simm.s32 $0x0;
	s20 =	sshll.u32 s5, $0x1;
	s5 =	sadd.s32 s21, s3  }
0x9d: {  	[timem:s7], [sflag:s22] =	dma.local [hbm:s5], s20  }
0x9e: {  	_ =	swait.ge [sflag:s22], s20  }
0x9f: {  	s4 =	ssub.s32 $0x0, s20;
	[sflag:s22] =	ssyncset.done $0x0  }
0xa0: {  	[sflag:s22] =	ssyncadd.s32 s4;
	_ =	sdelay $0x1  }
0xa1: {  	s23 =	simm.s32 $0x1B8B  }
0xa2: {  	_ =	swait.ge [sflag:s23], $0x1  }
0xa3: {  	[sflag:s23] =	ssyncset.done $0x0  }
0xa4: {  	s25 =	simm.s32 $0x1B8E;
	s24 =	sld [smem:$0x3FFE];
	[sflag:s23] =	ssyncadd.s32 $0xFFFFFFFF  }
0xa5: {  	s26 =	simm.s32 $execute0_lowered;
	[smem:$0x3FD2] =	sst s25  }
0xa6: {  	s5 =	sshll.u32 s26, $0x1;
	_ =	strace $0x80000046;
	[dreg:$0x1] =	wrdreg $0xFFFFFFFF  }
0xa7: {  	s28 =	simm.s32 $_size_execute0_lowered;
	s3 =	sadd.s32 s3, s5;
	[dreg:$0x0] =	wrdreg $0x0  }
0xa8: {  	s5 =	sshll.u32 s28, $0x1;
	[dreg:$0x2] =	wrdreg s3  }
0xa9: {  	[dreg:$0x3] =	wrdreg s5  }
0xaa: {  	[dreg:$0x4] =	wrdreg $0xC0  }
0xab: {  	_ =	task [dreg:s7], $0x5FFFF  }
0xac: {  	[dreg:$0x1] =	wrdreg $0xFFFFFFFF  }
0xad: {  	[dreg:$0x0] =	wrdreg $0x60  }
0xae: {  	[dreg:$0x2] =	wrdreg s2  }
0xaf: {  	[dreg:$0x3] =	wrdreg s24  }
0xb0: {  	[dreg:$0x4] =	wrdreg $0x0  }
0xb1: {  	[dreg:$0x5] =	wrdreg $0x9  }
0xb2: {  	_ =	task.clear_ibuf [dreg:s7], $0x6FFFF;
	_ =	strace $0x90000046  }
0xb3: {  	s29 =	simm.s32 $0x9;
	_ =	strace $0x80000048  }
0xb4: {  	_ =	swait.ge [sflag:s29], $0x1  }
0xb5: {  	[sflag:s29] =	ssyncadd.s32 $0xFFFFFFFF  }
0xb6: {  	_ =	strace $0x90000048  }
0xb7: {  	_ =	sfence  }
0xb8: {  	s30 =	sld [smem:$0x0];
	_ =	sdelay $0x2  }
0xb9: {  	s31 =	sshll.u32 s1, $0xD;
	s1 =	sshrl.u32 s1, $0x2  }
0xba: {  	s3 =	sand.u32 $0x4000, s31;
	s1 =	sadd.s32 s1, s30  }
0xbb: {  	s0 =	sor.u32 s3, s0;
	s1 =	sshll.u32 s1, $0x11  }
0xbc: {  	s0 =	sor.u32 s1, s0  }
0xbd: {  	s0 =	sadd.s32 $0x8F2B, s0  }
0xbe: {  	[sflag:s0] =	ssyncadd.remote.s32 $0x1  }
0xbf: {  	_ =	sfence.sel $0xFFFF  }
0xc0: {  	[dreg:$0x0] =	wrdreg $0xFFFFFFFF;
	(pc) =	sbr.abs _section_cstart, $3  }
0xc1: {  	[dreg:$0x1] =	wrdreg $0xFFFFFFFF  }
0xc2: {  	_ =	task.clear_ibuf [dreg:s7], $0x2FFFF;
	_ =	strace $0x9FFFFFFF  }
0xc3: {  	(tm) =	ssettm $0x7FFFFFFF  }
tec
execute0_lowered:
.L_overlay_start_1:
0x0: {  	(tag) =	ssettag $0x1  }
0x1: {  	s7 =	rddreg [dreg:$0x0]  }
0x2: {  	s5 =	rddreg [dreg:$0x1]  }
0x3: {  	s2 =	rddreg [dreg:$0x2]  }
0x4: {  	s0 =	rddreg [dreg:$0x3]  }
0x5: {  	s1 =	stileid.u32;
	s4 =	srdreg.scid;
	s3 =	simm.s32 $0x0  }
0x6: {  	s14 =	simm.s32 $0x80;
	s15 =	simm.s32 $0x0;
	s6 =	smul.u32 $0x280, s1  }
0x7: {  	s8 =	sand.u32 $0x1, s4;
	[smem:$0x7FF] =	sst s3;
	s4 =	sadd.s32 $0x1400, s5  }
0x8: {  	s12 =	sshll.u32 s1, $0x6;
	s9 =	smul.u32 $0x2800, s8;
	_ =	strace $0x80000047  }
0x9: {  	s11 =	ssub.s32 $0x2, s8;
	s8 =	sshll.u32 s8, $0x4;
	s30 =	sshrl.u32 s6, $0x3  }
0xa: {  	s31 =	sshrl.u32 s11, $0x1;
	s8 =	sor.u32 s1, s8;
	s13 =	sadd.s32 s6, s2  }
0xb: {  	s10 =	sadd.s32 s30, s5;
	s9 =	sadd.s32 s6, s9;
	s11 =	ssub.s32 s11, s31  }
0xc: {  	s8 =	smul.u32 $0x500, s8;
	s6 =	sor.u32 $0x1C01, s12;
	s9 =	sshrl.u32 s9, $0x3  }
0xd: {  	s12 =	simm.s32 $0x2A80;
	s9 =	sadd.s32 s9, s5;
	s5 =	sadd.s32 $0xE00, s10  }
0xe: {  	s7 =	sadd.s32 s7, s8;
	s10 =	sshrl.u32 s13, $0x3;
	s13 =	simm.s32 $0x280  }
0xf: {  	s8 =	sadd.s32 $0x1600, s9;
	s9 =	smax.u32 s11, $0x1;
	s11 =	simm.s32 $0x1  }
.LBB2_1:
0x10: {  	[spmem:s10], [sflag:s6] =	dma.local [hbm:s5], $0x50  }
0x11: {  	_ =	swait.ge [sflag:s11], $0x50  }
0x12: {  	[sflag:s11] =	ssyncset.done $0x0  }
0x13: {  	[sflag:s11] =	ssyncadd.s32 $0xFFFFFFB0  }
0x14: {  	[tilespmem:s12], [sflag:$0x1] =	stream.linear.gather [hbm4b:s4+s3], $0x80, $0x38;
	[tilespmem:$0x2B00] =	vst v63  }
0x15: {  	_ =	swait.ge [sflag:s11], $0x80  }
0x16: {  	[sflag:s11] =	ssyncset.done $0x0  }
0x17: {  	[sflag:s11] =	ssyncadd.s32 $0xFFFFFF80  }
0x18: {  	[tilespmem:s13], [sflag:$0x1] =	stream.linear.gather [hbm4b:s7+s3], $0x2800, $0x38;
	[tilespmem:$0x2B00] =	vst v63  }
0x19: {  	_ =	swait.ge [sflag:s11], $0x2800  }
0x1a: {  	[sflag:s11] =	ssyncset.done $0x0  }
0x1b: {  	[sflag:s11] =	ssyncadd.s32 $0xFFFFD800  }
0x1c: {  	s16 =	simm.s32 $0x280;
	[bflag:$0x0] =	sbarrier.arrive $0xFFFF  }
0x1d: {  	[spmem:s2] =	stream.indirect.scatter.add.f32 [tilespmem:s12], [sflag:$0x1], $0x1, s16, s14, $0xb8;
	[tilespmem:$0x2B00] =	vst v63  }
0x1e: {  	s16 =	simm.s32 $0x200;
	_ =	swait.ge [sflag:s11], $0x80  }
.LBB2_2:
0x1f: {  	s17 =	sshra.s32 s16, $0x2;
	[sflag:s11] =	ssyncset.done $0x0;
	p0 =	sne.s32 s16, $0x9E00  }
.Ltmp0:
0x20: {  	s17 =	sadd.s32 $0x280, s17;
	[sflag:s11] =	ssyncadd.s32 $0xFFFFFF80;
	(pc) =	sbr.rel @p0 .LBB2_2-.Ltmp0, $3  }
0x21: {  	[spmem:s2] =	stream.indirect.scatter.add.f32 [tilespmem:s12], [sflag:$0x1], $0x1, s17, s14, $0xb8;
	[tilespmem:$0x2B00] =	vst v63  }
0x22: {  	s16 =	sadd.s32 $0x200, s16;
	_ =	sdelay $0x1  }
0x23: {  	_ =	swait.ge [sflag:s11], $0x80  }
0x24: {  	[sflag:s11] =	ssyncset.done $0x0;
	s15 =	sadd.s32 $0x1, s15  }
0x25: {  	[sflag:s11] =	ssyncadd.s32 $0xFFFFFF80;
	p0 =	sne.s32 s15, s9  }
.Ltmp1:
0x26: {  	[bflag:$0x0] =	sbarrier.arrive $0xFFFF;
	(pc) =	sbr.rel @p0 .LBB2_1-.Ltmp1, $4  }
0x27: {  	[hbm:s8], [sflag:s6] =	dma.local [spmem:s10], $0x50  }
0x28: {  	_ =	swait.ge [sflag:s11], $0x50  }
0x29: {  	[sflag:s11] =	ssyncset.done $0x0  }
0x2a: {  	[sflag:s11] =	ssyncadd.s32 $0xFFFFFFB0  }
0x2b: {  	_ =	sfence.sel $0x180000  }
0x2c: {  	[bflag:$0x0] =	sbarrier.arrive $0xFFFF  }
0x2d: {  	p0 =	sne.s32 s1, $0x0;
	_ =	strace $0x90000047  }
0x2e: {  	s0 =	sadd.s32 @!p0 $0x100000, s0;
	[bflag:$0x2] =	sbarrier.arrive $0xFFFF  }
0x2f: {  	[sflag:s0] =	ssyncadd.tile.s32 @!p0 $0x1;
	_ =	shalt  }
.Lfunc_end2:
_tile_overlayer_lowered:
.L_overlay_start_2:
0x30: {  	(tag) =	ssettag $0x2  }
0x31: {  	s0 =	rddreg [dreg:$0x0];
	s2 =	stileid.u32  }
0x32: {  	s1 =	rddreg [dreg:$0x1];
	p0 =	sne.s32 s2, $0x0  }
0x33: {  	s3 =	rddreg [dreg:$0x2];
	[bflag:$0x3] =	sbarrier.arrive $0xFFFF;
	s2 =	simm.s32 @!p0 $0x1C01  }
0x34: {  	[timem:s3], [sflag:s2] =	dma.local @!p0 [hbm:s0], s1  }
0x35: {  	s0 =	simm.s32 @!p0 $0x1  }
0x36: {  	_ =	swait.ge @!p0 [sflag:s0], s1  }
0x37: {  	s1 =	ssub.s32 @!p0 $0x0, s1;
	[sflag:s0] =	ssyncset.done @!p0 $0x0  }
0x38: {  	[sflag:s0] =	ssyncadd.s32 @!p0 s1  }
0x39: {  	[bflag:$0x3] =	sbarrier.arrive $0xFFFF  }
0x3a: {  	_ =	shalt  }

// kernel: kernel.9.cloned.1.call-start
scs
__scs_entry_jumppad:
0x0: {  	(pc) =	sbr.rel $0x88, $3  }
0x1: {  	(tag) =	ssettag $0x0;
	lr =	simm.s32 $0x1  }
0x2: {  	[smem:$0x3F98] =	sst lr;
	_ =	strace $0xD0000000  }
0x3: {  	_ = 	snop  }
0x4: {  	_ = 	snop  }
0x5: {  	_ = 	snop  }
0x6: {  	_ = 	snop  }
0x7: {  	_ = 	snop  }
__scs_overlays_trampoline_lowered:
0x8: {  	[smem:$0x3FA7] =	sst s0  }
0x9: {  	[smem:$0x3FA8] =	sst s1  }
0xa: {  	[smem:$0x3FA9] =	sst s2  }
0xb: {  	[smem:$0x3FAA] =	sst s3  }
0xc: {  	[smem:$0x3FAB] =	sst s4  }
0xd: {  	[smem:$0x3FAC] =	sst s5  }
0xe: {  	[smem:$0x3FAD] =	sst s6  }
0xf: {  	[smem:$0x3FAE] =	sst s7  }
0x10: {  	[smem:$0x3FAF] =	sst s8  }
0x11: {  	[smem:$0x3FB0] =	sst s9;
	s0 =	simm.s32 @!p0 $0x0  }
0x12: {  	s1 =	sld [smem:$0x3F96];
	s0 =	simm.s32 @p0 $0x1  }
0x13: {  	[smem:$0x3FB1] =	sst s0;
	s0 =	simm.s32 @!p1 $0x0  }
0x14: {  	s2 =	sld [smem:$0x3F95];
	s0 =	simm.s32 @p1 $0x1  }
0x15: {  	[smem:$0x3FB2] =	sst s0;
	s0 =	simm.s32 @!p2 $0x0  }
0x16: {  	s3 =	sld [smem:$0x3FDB];
	s0 =	simm.s32 @p2 $0x1  }
0x17: {  	s4 =	simm.s32 $0x1BF5;
	[smem:$0x3FB4] =	sst s0  }
0x18: {  	s0 =	sld [smem:$0x3F97];
	_ =	swait.ge [sflag:s4], $0x0  }
0x19: {  	s7 =	sld [smem:$0x3F98]  }
0x1a: {  	s8 =	sadd.s32 $0xFFFFE003, lr  }
0x1b: {  	s9 =	sadd.s32 $0xFFFFFEF7, lr;
	s5 =	simm.s32 $0xFFFFFFFF;
	p2 =	slt.u32 s8, $0xFFFFF086  }
0x1c: {  	p1 =	slt.u32 s9, $0xF7A;
	s5 =	simm.s32 @!p2 $0x0  }
0x1d: {  	s5 =	simm.s32 @p1 $0x1;
	p0 =	seq.s32 s7, s2  }
0x1e: {  	s7 =	smul.u32 @!p0 $0xF7A, s2;
	p2 =	seq.s32 @!p0 s5, $0x0  }
0x1f: {  	s9 =	smul.u32 $0xF7A, s1;
	s8 =	simm.s32 @!p0 $0x1BF5;
	p2 =	por !p2, p0  }
0x20: {  	[sflag:s8] =	ssyncset.s32 @!p0 $0xFFFFF086;
	s6 =	sadd.s32 @!p0 s3, s7;
	s7 =	simm.s32 @!p0 $0x108  }
0x21: {  	s3 =	sadd.s32 s3, s9;
	s6 =	sadd.s32 @!p0 $0x88, s6;
	s7 =	simm.s32 @p2 $0x1082  }
0x22: {  	[simem:s7], [sflag:s8] =	dma.local @!p0 [hbm:s6], $0xF7A  }
0x23: {  	s9 =	sor.u32 $0xD0000000, s2;
	s6 =	simm.s32 $0x108;
	_ =	swait.ge @!p0 [sflag:s8], $0x0  }
0x24: {  	s3 =	sadd.s32 $0x88, s3;
	s6 =	simm.s32 @!p1 $0x1082;
	[sflag:s4] =	ssyncset.s32 $0xFFFFF086  }
0x25: {  	[simem:s6], [sflag:s4] =	dma.local [hbm:s3], $0xF7A  }
0x26: {  	[smem:$0x3F98] =	sst s1;
	(tag) =	ssettag s2;
	_ =	strace s9  }
0x27: {  	s1 =	sld [smem:$0x3FA8]  }
0x28: {  	s2 =	sld [smem:$0x3FA9]  }
0x29: {  	s4 =	sld [smem:$0x3FAB]  }
0x2a: {  	p0 =	seq.s32 s5, $0x0;
	s5 =	sld [smem:$0x3FAC]  }
0x2b: {  	s6 =	sld [smem:$0x3FAD]  }
0x2c: {  	s7 =	sld [smem:$0x3FAE]  }
0x2d: {  	s3 =	simm.s32 $0x108;
	s8 =	sld [smem:$0x3FAF]  }
0x2e: {  	s3 =	simm.s32 @!p0 $0x1082;
	s9 =	sld [smem:$0x3FB0]  }
0x2f: {  	lr =	sadd.s32 s0, s3;
	s0 =	sld [smem:$0x3FA7]  }
0x30: {  	s3 =	sld [smem:$0x3FAA]  }
0x31: {  	[smem:$0x3FB3] =	sst s10  }
0x32: {  	s10 =	sld [smem:$0x3FB1];
	_ =	sdelay $0x3  }
0x33: {  	p0 =	seq.s32 s10, $0x1;
	s10 =	sld [smem:$0x3FB3];
	_ =	sdelay $0x3  }
0x34: {  	[smem:$0x3FB3] =	sst s10  }
0x35: {  	s10 =	sld [smem:$0x3FB2];
	_ =	sdelay $0x3  }
0x36: {  	p1 =	seq.s32 s10, $0x1;
	s10 =	sld [smem:$0x3FB3];
	_ =	sdelay $0x3  }
0x37: {  	[smem:$0x3FB3] =	sst s10  }
0x38: {  	s10 =	sld [smem:$0x3FB4]  }
0x39: {  	_ = 	snop;
	(pc) =	sbr.ind lr, $3  }
0x3a: {  	_ = 	snop  }
0x3b: {  	_ = 	snop  }
0x3c: {  	p2 =	seq.s32 s10, $0x1;
	s10 =	sld [smem:$0x3FB3]  }
0x3d: {  	_ =	shalt  }
0x3e: {  	_ =	shalt  }
0x3f: {  	_ =	shalt  }
0x40: {  	_ =	shalt  }
0x41: {  	_ =	shalt  }
0x42: {  	_ =	shalt  }
0x43: {  	_ =	shalt  }
0x44: {  	_ =	shalt  }
0x45: {  	_ =	shalt  }
0x46: {  	_ =	shalt  }
0x47: {  	_ =	shalt  }
0x48: {  	_ =	shalt  }
0x49: {  	_ =	shalt  }
0x4a: {  	_ =	shalt  }
0x4b: {  	_ =	shalt  }
0x4c: {  	_ =	shalt  }
0x4d: {  	_ =	shalt  }
0x4e: {  	_ =	shalt  }
0x4f: {  	_ =	shalt  }
0x50: {  	_ =	shalt  }
0x51: {  	_ =	shalt  }
0x52: {  	_ =	shalt  }
0x53: {  	_ =	shalt  }
0x54: {  	_ =	shalt  }
0x55: {  	_ =	shalt  }
0x56: {  	_ =	shalt  }
0x57: {  	_ =	shalt  }
0x58: {  	_ =	shalt  }
0x59: {  	_ =	shalt  }
0x5a: {  	_ =	shalt  }
0x5b: {  	_ =	shalt  }
0x5c: {  	_ =	shalt  }
0x5d: {  	_ =	shalt  }
0x5e: {  	_ =	shalt  }
0x5f: {  	_ =	shalt  }
0x60: {  	_ =	shalt  }
0x61: {  	_ =	shalt  }
0x62: {  	_ =	shalt  }
0x63: {  	_ =	shalt  }
0x64: {  	_ =	shalt  }
0x65: {  	_ =	shalt  }
0x66: {  	_ =	shalt  }
0x67: {  	_ =	shalt  }
0x68: {  	_ =	shalt  }
0x69: {  	_ =	shalt  }
0x6a: {  	_ =	shalt  }
0x6b: {  	_ =	shalt  }
0x6c: {  	_ =	shalt  }
0x6d: {  	_ =	shalt  }
0x6e: {  	_ =	shalt  }
0x6f: {  	_ =	shalt  }
0x70: {  	_ =	shalt  }
0x71: {  	_ =	shalt  }
0x72: {  	_ =	shalt  }
0x73: {  	_ =	shalt  }
0x74: {  	_ =	shalt  }
0x75: {  	_ =	shalt  }
0x76: {  	_ =	shalt  }
0x77: {  	_ =	shalt  }
0x78: {  	_ =	shalt  }
0x79: {  	_ =	shalt  }
0x7a: {  	_ =	shalt  }
0x7b: {  	_ =	shalt  }
0x7c: {  	_ =	shalt  }
0x7d: {  	_ =	shalt  }
0x7e: {  	_ =	shalt  }
0x7f: {  	_ =	shalt  }
0x80: {  	_ =	shalt  }
0x81: {  	_ =	shalt  }
0x82: {  	_ =	shalt  }
0x83: {  	_ =	shalt  }
0x84: {  	_ =	shalt  }
0x85: {  	_ =	shalt  }
0x86: {  	_ =	shalt  }
0x87: {  	_ =	shalt  }
.Lfunc_end0:
.L_simem_size_0:
called_computation.1_lowered:
.L_overlay_start_0:
0x88: {  	s2 =	sld [smem:$0x3FD9]  }
0x89: {  	s3 =	sld [smem:$0x3FFE];
	_ =	sdelay $0x1  }
0x8a: {  	s1 =	srdreg.scid  }
0x8b: {  	s0 =	sand.u32 $0x1, s1  }
0x8c: {  	s17 =	sshll.u32 s0, $0xA;
	s2 =	sadd.s32 s3, s2  }
0x8d: {  	s2 =	sadd.s32 s2, s17  }
0x8e: {  	[smem:$0x3FBF] =	sst s2  }
0x8f: {  	_ = 	snop  }
0x90: {  	s2 =	sld [smem:$0x3FD0];
	(tm) =	ssettm $0x1  }
0x91: {  	s18 =	sld [smem:$0x3FFB];
	_ =	sdelay $0x3  }
0x92: {  	_ =	strace s18  }
0x93: {  	s3 =	sld [smem:$0x3FFC];
	_ =	sdelay $0x3  }
0x94: {  	_ =	strace s3  }
0x95: {  	s3 =	sld [smem:$0x3FFD];
	_ =	sdelay $0x3  }
0x96: {  	_ =	strace s3  }
0x97: {  	_ =	strace $0x8FFFFFFF  }
0x98: {  	s19 =	sld [smem:$0x3FDB];
	_ =	sdelay $0x1  }
0x99: {  	s4 =	simm.s32 $_scs_section_size  }
0x9a: {  	s5 =	simm.s32 $_size__tile_overlayer_lowered;
	s6 =	simm.s32 $_tile_overlayer_lowered  }
0x9b: {  	s22 =	simm.s32 $0x1BFF;
	s21 =	sshll.u32 s6, $0x1;
	s3 =	sadd.s32 s4, s19  }
0x9c: {  	s7 =	simm.s32 $0x0;
	s20 =	sshll.u32 s5, $0x1;
	s5 =	sadd.s32 s21, s3  }
0x9d: {  	[timem:s7], [sflag:s22] =	dma.local [hbm:s5], s20  }
0x9e: {  	_ =	swait.ge [sflag:s22], s20  }
0x9f: {  	s4 =	ssub.s32 $0x0, s20;
	[sflag:s22] =	ssyncset.done $0x0  }
0xa0: {  	[sflag:s22] =	ssyncadd.s32 s4;
	_ =	sdelay $0x1  }
0xa1: {  	s23 =	simm.s32 $0x1B8B  }
0xa2: {  	_ =	swait.ge [sflag:s23], $0x1  }
0xa3: {  	[sflag:s23] =	ssyncset.done $0x0  }
0xa4: {  	s25 =	simm.s32 $0x1B8E;
	s24 =	sld [smem:$0x3FFE];
	[sflag:s23] =	ssyncadd.s32 $0xFFFFFFFF  }
0xa5: {  	s26 =	simm.s32 $execute0_lowered;
	[smem:$0x3FD2] =	sst s25  }
0xa6: {  	s5 =	sshll.u32 s26, $0x1;
	_ =	strace $0x80000049;
	[dreg:$0x1] =	wrdreg $0xFFFFFFFF  }
0xa7: {  	s28 =	simm.s32 $_size_execute0_lowered;
	s3 =	sadd.s32 s3, s5;
	[dreg:$0x0] =	wrdreg $0x0  }
0xa8: {  	s5 =	sshll.u32 s28, $0x1;
	[dreg:$0x2] =	wrdreg s3  }
0xa9: {  	[dreg:$0x3] =	wrdreg s5  }
0xaa: {  	[dreg:$0x4] =	wrdreg $0xC0  }
0xab: {  	_ =	task [dreg:s7], $0x5FFFF  }
0xac: {  	[dreg:$0x1] =	wrdreg $0xFFFFFFFF  }
0xad: {  	[dreg:$0x0] =	wrdreg $0x60  }
0xae: {  	[dreg:$0x2] =	wrdreg s2  }
0xaf: {  	[dreg:$0x3] =	wrdreg s24  }
0xb0: {  	[dreg:$0x4] =	wrdreg $0x0  }
0xb1: {  	[dreg:$0x5] =	wrdreg $0x9  }
0xb2: {  	_ =	task.clear_ibuf [dreg:s7], $0x6FFFF;
	_ =	strace $0x90000049  }
0xb3: {  	s29 =	simm.s32 $0x9;
	_ =	strace $0x8000004B  }
0xb4: {  	_ =	swait.ge [sflag:s29], $0x1  }
0xb5: {  	[sflag:s29] =	ssyncadd.s32 $0xFFFFFFFF  }
0xb6: {  	_ =	strace $0x9000004B  }
0xb7: {  	_ =	sfence  }
0xb8: {  	s30 =	sld [smem:$0x0];
	_ =	sdelay $0x2  }
0xb9: {  	s31 =	sshll.u32 s1, $0xD;
	s1 =	sshrl.u32 s1, $0x2  }
0xba: {  	s3 =	sand.u32 $0x4000, s31;
	s1 =	sadd.s32 s1, s30  }
0xbb: {  	s0 =	sor.u32 s3, s0;
	s1 =	sshll.u32 s1, $0x11  }
0xbc: {  	s0 =	sor.u32 s1, s0  }
0xbd: {  	s0 =	sadd.s32 $0x8F2B, s0  }
0xbe: {  	[sflag:s0] =	ssyncadd.remote.s32 $0x1  }
0xbf: {  	_ =	sfence.sel $0xFFFF  }
0xc0: {  	[dreg:$0x0] =	wrdreg $0xFFFFFFFF;
	(pc) =	sbr.abs _section_cstart, $3  }
0xc1: {  	[dreg:$0x1] =	wrdreg $0xFFFFFFFF  }
0xc2: {  	_ =	task.clear_ibuf [dreg:s7], $0x2FFFF;
	_ =	strace $0x9FFFFFFF  }
0xc3: {  	(tm) =	ssettm $0x7FFFFFFF  }
tec
execute0_lowered:
.L_overlay_start_1:
0x0: {  	(tag) =	ssettag $0x1  }
0x1: {  	s1 =	rddreg [dreg:$0x0]  }
0x2: {  	s0 =	rddreg [dreg:$0x1]  }
0x3: {  	s3 =	rddreg [dreg:$0x2];
	s2 =	simm.s32 $0x0  }
0x4: {  	s16 =	stileid.u32;
	s6 =	srdreg.scid;
	s28 =	simm.s32 $0x2  }
0x5: {  	s29 =	simm.s32 $0x15380;
	s30 =	simm.s32 $0x16700;
	s31 =	simm.s32 $0x16780  }
0x6: {  	[smem:$0x7FF] =	sst s2;
	s26 =	smul.u32 $0x2800, s16;
	s5 =	sadd.s32 $0x6E200, s0  }
0x7: {  	s4 =	sadd.s32 $0xC000, s0;
	s12 =	sadd.s32 $0x2000, s0;
	s8 =	smul.u32 $0x50000, s16  }
0x8: {  	s10 =	sand.u32 $0x1, s6;
	s13 =	sshll.u32 s16, $0x1;
	s15 =	smul.u32 $0x280, s16  }
0x9: {  	s18 =	sshll.u32 s16, $0x6;
	s16 =	smul.u32 $0x500, s16;
	_ =	strace $0x8000004A  }
0xa: {  	s6 =	ssub.s32 $0x2, s10;
	s11 =	sshll.u32 s10, $0x5;
	s7 =	sadd.s32 s26, s0  }
0xb: {  	s0 =	sadd.s32 $0xE4400, s0;
	s9 =	sshrl.u32 s6, $0x1;
	s11 =	sor.u32 s13, s11  }
0xc: {  	s8 =	sshrl.u32 s8, $0x2;
	s2 =	sshrl.u32 s26, $0x3;
	s17 =	smul.u32 $0x280, s11  }
0xd: {  	s19 =	ssub.s32 s6, s9;
	s14 =	sadd.s32 s8, s3;
	s11 =	smul.u32 $0x1400, s11  }
0xe: {  	s7 =	sadd.s32 $0xBC400, s7;
	s8 =	sor.u32 $0x1C03, s18;
	s18 =	smul.u32 $0x2800, s10  }
0xf: {  	s2 =	sadd.s32 s12, s2;
	[dreg:$0x4] =	wrdreg s14;
	s14 =	sor.u32 $0x2, s10  }
0x10: {  	s10 =	sadd.s32 s12, s16;
	s12 =	sadd.s32 $0x280, s2;
	s19 =	smax.u32 s19, $0x1  }
0x11: {  	s20 =	sadd.s32 s4, s17;
	s11 =	sshrl.u32 s11, $0x3;
	s17 =	sshll.u32 s14, $0x5  }
0x12: {  	s22 =	sadd.s32 s15, s18;
	s25 =	smul.u32 $0x2800, s14;
	[dreg:$0x5] =	wrdreg s20  }
0x13: {  	s11 =	sadd.s32 s4, s11;
	s13 =	sor.u32 s13, s17;
	s24 =	sshll.u32 s22, $0x4  }
0x14: {  	s20 =	simm.s32 $0x3;
	s22 =	simm.s32 $0x15400;
	s21 =	smul.u32 $0x280, s13  }
0x15: {  	s11 =	sadd.s32 $0x280, s11;
	s23 =	smul.u32 $0x1400, s13;
	s13 =	sadd.s32 s0, s24  }
0x16: {  	s17 =	sadd.s32 s15, s25;
	s15 =	sadd.s32 $0x5000, s2;
	s24 =	simm.s32 $0x16800  }
0x17: {  	s25 =	simm.s32 $0x1;
	s26 =	sshll.u32 s17, $0x4;
	s17 =	sadd.s32 $0x5280, s2  }
0x18: {  	s18 =	sshrl.u32 s23, $0x3;
	s14 =	sadd.s32 s4, s21;
	s21 =	simm.s32 $0x14000  }
0x19: {  	s23 =	simm.s32 $0x80;
	s4 =	sadd.s32 s4, s18;
	s18 =	sadd.s32 s0, s26  }
0x1a: {  	s26 =	simm.s32 $0x1A800;
	s0 =	simm.s32 $0x0;
	s16 =	sadd.s32 $0x280, s4  }
.LBB2_1:
0x1b: {  	s2 =	rddreg [dreg:$0x4]  }
0x1c: {  	s2 =	sshrl.u32 s2, $0x3  }
0x1d: {  	[spmem:s2], [sflag:s8] =	dma.local [hbm:s7], $0x2800  }
0x1e: {  	_ =	swait.ge [sflag:s20], $0x2800  }
0x1f: {  	[sflag:s20] =	ssyncset.done $0x0  }
0x20: {  	[sflag:s20] =	ssyncadd.s32 $0xFFFFD800  }
0x21: {  	[bflag:$0x0] =	sbarrier.arrive $0xFFFF  }
0x22: {  	s4 =	simm.s32 $0x0;
	s6 =	rddreg [dreg:$0x5]  }
0x23: {  	[tilespmem:s21], [sflag:$0x3] =	stream.linear.gather [hbm4b:s6+s4], $0x1400, $0x38;
	[tilespmem:$0x1E800] =	vst v63  }
0x24: {  	_ =	swait.ge [sflag:s20], $0x1400  }
0x25: {  	[sflag:s20] =	ssyncset.done $0x0  }
0x26: {  	[sflag:s20] =	ssyncadd.s32 $0xFFFFEC00  }
0x27: {  	[tilespmem:s22], [sflag:$0x3] =	stream.linear.gather [hbm4b:s10+s4], $0x1400, $0x38;
	[tilespmem:$0x1E800] =	vst v63  }
0x28: {  	_ =	swait.ge [sflag:s20], $0x1400  }
0x29: {  	[sflag:s20] =	ssyncset.done $0x0  }
0x2a: {  	[sflag:s20] =	ssyncadd.s32 $0xFFFFEC00  }
0x2b: {  	[tilespmem:s24], [sflag:$0x1] =	stream.indirect.gather [hbm4b:s1+s23], $0x80, s21, s23, $0xb8;
	[tilespmem:$0x1E800] =	vst v63  }
0x2c: {  	_ =	swait.ge [sflag:s25], $0x4000  }
0x2d: {  	[sflag:s25] =	ssyncset.done $0x0  }
0x2e: {  	s6 =	simm.s32 $0x14080;
	[sflag:s25] =	ssyncadd.s32 $0xFFFFC000  }
0x2f: {  	[tilespmem:s26], [sflag:$0x2] =	stream.indirect.gather [hbm4b:s1+s23], $0x80, s6, s23, $0xb8;
	[tilespmem:$0x1E800] =	vst v63  }
0x30: {  	s9 =	simm.s32 $0x15400  }
0x31: {  	[spmem:s3] =	stream.indirect.scatter.add.f32 [tilespmem:s24], [sflag:$0x3], $0x80, s9, s23, $0xb8;
	[tilespmem:$0x1E800] =	vst v63  }
0x32: {  	_ =	swait.ge [sflag:s20], $0x4000  }
0x33: {  	[sflag:s20] =	ssyncset.done $0x0  }
0x34: {  	[sflag:s20] =	ssyncadd.s32 $0xFFFFC000  }
0x35: {  	_ =	swait.ge [sflag:s28], $0x4000  }
0x36: {  	[sflag:s28] =	ssyncset.done $0x0  }
0x37: {  	s6 =	simm.s32 $0x14100;
	[sflag:s28] =	ssyncadd.s32 $0xFFFFC000  }
0x38: {  	[tilespmem:s24], [sflag:$0x1] =	stream.indirect.gather [hbm4b:s1+s23], $0x80, s6, s23, $0xb8;
	[tilespmem:$0x1E800] =	vst v63  }
0x39: {  	s9 =	simm.s32 $0x15480  }
0x3a: {  	[spmem:s3] =	stream.indirect.scatter.add.f32 [tilespmem:s26], [sflag:$0x3], $0x80, s9, s23, $0xb8;
	[tilespmem:$0x1E800] =	vst v63  }
0x3b: {  	_ =	swait.ge [sflag:s20], $0x4000  }
0x3c: {  	s4 =	simm.s32 $0x400;
	[sflag:s20] =	ssyncset.done $0x0  }
.LBB2_2:
0x3d: {  	p0 =	sne.s32 s4, $0x4800  }
0x3e: {  	[sflag:s20] =	ssyncadd.s32 $0xFFFFC000;
	s6 =	smov.u32 s4;
	s4 =	sadd.s32 $0x400, s4  }
0x3f: {  	_ = 	snop  }
0x40: {  	_ =	swait.ge [sflag:s25], $0x4000  }
0x41: {  	s6 =	sshra.s32 s6, $0x2;
	[sflag:s25] =	ssyncset.done $0x0  }
0x42: {  	s9 =	sadd.s32 $0x14080, s6;
	[sflag:s25] =	ssyncadd.s32 $0xFFFFC000  }
0x43: {  	[tilespmem:s26], [sflag:$0x2] =	stream.indirect.gather [hbm4b:s1+s23], $0x80, s9, s23, $0xb8;
	[tilespmem:$0x1E800] =	vst v63  }
0x44: {  	s9 =	sadd.s32 $0x15400, s6  }
0x45: {  	[spmem:s3] =	stream.indirect.scatter.add.f32 [tilespmem:s24], [sflag:$0x3], $0x80, s9, s23, $0xb8;
	[tilespmem:$0x1E800] =	vst v63  }
0x46: {  	_ =	swait.ge [sflag:s20], $0x4000  }
0x47: {  	[sflag:s20] =	ssyncset.done $0x0  }
0x48: {  	[sflag:s20] =	ssyncadd.s32 $0xFFFFC000  }
0x49: {  	_ =	swait.ge [sflag:s28], $0x4000  }
0x4a: {  	[sflag:s28] =	ssyncset.done $0x0  }
0x4b: {  	s9 =	sadd.s32 $0x14100, s6;
	[sflag:s28] =	ssyncadd.s32 $0xFFFFC000  }
0x4c: {  	[tilespmem:s24], [sflag:$0x1] =	stream.indirect.gather [hbm4b:s1+s23], $0x80, s9, s23, $0xb8;
	[tilespmem:$0x1E800] =	vst v63  }
.Ltmp0:
0x4d: {  	_ = 	snop;
	(pc) =	sbr.rel @p0 .LBB2_2-.Ltmp0, $4  }
0x4e: {  	s6 =	sadd.s32 $0x15480, s6  }
0x4f: {  	[spmem:s3] =	stream.indirect.scatter.add.f32 [tilespmem:s26], [sflag:$0x3], $0x80, s6, s23, $0xb8;
	[tilespmem:$0x1E800] =	vst v63  }
0x50: {  	_ =	swait.ge [sflag:s20], $0x4000  }
0x51: {  	[sflag:s20] =	ssyncset.done $0x0  }
0x52: {  	[sflag:s20] =	ssyncadd.s32 $0xFFFFC000  }
0x53: {  	_ =	swait.ge [sflag:s25], $0x4000  }
0x54: {  	[sflag:s25] =	ssyncset.done $0x0  }
0x55: {  	[sflag:s25] =	ssyncadd.s32 $0xFFFFC000  }
0x56: {  	[tilespmem:s26], [sflag:$0x2] =	stream.indirect.gather [hbm4b:s1+s23], $0x80, s29, s23, $0xb8;
	[tilespmem:$0x1E800] =	vst v63  }
0x57: {  	_ = 	snop  }
0x58: {  	[spmem:s3] =	stream.indirect.scatter.add.f32 [tilespmem:s24], [sflag:$0x3], $0x80, s30, s23, $0xb8;
	[tilespmem:$0x1E800] =	vst v63  }
0x59: {  	_ =	swait.ge [sflag:s20], $0x4000  }
0x5a: {  	[sflag:s20] =	ssyncset.done $0x0  }
0x5b: {  	[sflag:s20] =	ssyncadd.s32 $0xFFFFC000  }
0x5c: {  	_ =	swait.ge [sflag:s28], $0x4000  }
0x5d: {  	[sflag:s28] =	ssyncset.done $0x0  }
0x5e: {  	[sflag:s28] =	ssyncadd.s32 $0xFFFFC000  }
0x5f: {  	[spmem:s3] =	stream.indirect.scatter.add.f32 [tilespmem:s26], [sflag:$0x3], $0x80, s31, s23, $0xb8;
	[tilespmem:$0x1E800] =	vst v63  }
0x60: {  	_ =	swait.ge [sflag:s20], $0x4000  }
0x61: {  	[sflag:s20] =	ssyncset.done $0x0  }
0x62: {  	s4 =	simm.s32 $0x0;
	[sflag:s20] =	ssyncadd.s32 $0xFFFFC000  }
0x63: {  	[tilespmem:s21], [sflag:$0x3] =	stream.linear.gather [hbm4b:s11+s4], $0x1400, $0x38;
	[tilespmem:$0x1E800] =	vst v63  }
0x64: {  	_ =	swait.ge [sflag:s20], $0x1400  }
0x65: {  	[sflag:s20] =	ssyncset.done $0x0  }
0x66: {  	[sflag:s20] =	ssyncadd.s32 $0xFFFFEC00  }
0x67: {  	[tilespmem:s22], [sflag:$0x3] =	stream.linear.gather [hbm4b:s12+s4], $0x1400, $0x38;
	[tilespmem:$0x1E800] =	vst v63  }
0x68: {  	_ =	swait.ge [sflag:s20], $0x1400  }
0x69: {  	[sflag:s20] =	ssyncset.done $0x0  }
0x6a: {  	[sflag:s20] =	ssyncadd.s32 $0xFFFFEC00  }
0x6b: {  	[tilespmem:s24], [sflag:$0x1] =	stream.indirect.gather [hbm4b:s1+s23], $0x80, s21, s23, $0xb8;
	[tilespmem:$0x1E800] =	vst v63  }
0x6c: {  	_ =	swait.ge [sflag:s25], $0x4000  }
0x6d: {  	[sflag:s25] =	ssyncset.done $0x0  }
0x6e: {  	s6 =	simm.s32 $0x14080;
	[sflag:s25] =	ssyncadd.s32 $0xFFFFC000  }
0x6f: {  	[tilespmem:s26], [sflag:$0x2] =	stream.indirect.gather [hbm4b:s1+s23], $0x80, s6, s23, $0xb8;
	[tilespmem:$0x1E800] =	vst v63  }
0x70: {  	s9 =	simm.s32 $0x15400  }
0x71: {  	[spmem:s3] =	stream.indirect.scatter.add.f32 [tilespmem:s24], [sflag:$0x3], $0x80, s9, s23, $0xb8;
	[tilespmem:$0x1E800] =	vst v63  }
0x72: {  	_ =	swait.ge [sflag:s20], $0x4000  }
0x73: {  	[sflag:s20] =	ssyncset.done $0x0  }
0x74: {  	[sflag:s20] =	ssyncadd.s32 $0xFFFFC000  }
0x75: {  	_ =	swait.ge [sflag:s28], $0x4000  }
0x76: {  	[sflag:s28] =	ssyncset.done $0x0  }
0x77: {  	s6 =	simm.s32 $0x14100;
	[sflag:s28] =	ssyncadd.s32 $0xFFFFC000  }
0x78: {  	[tilespmem:s24], [sflag:$0x1] =	stream.indirect.gather [hbm4b:s1+s23], $0x80, s6, s23, $0xb8;
	[tilespmem:$0x1E800] =	vst v63  }
0x79: {  	s9 =	simm.s32 $0x15480  }
0x7a: {  	[spmem:s3] =	stream.indirect.scatter.add.f32 [tilespmem:s26], [sflag:$0x3], $0x80, s9, s23, $0xb8;
	[tilespmem:$0x1E800] =	vst v63  }
0x7b: {  	_ =	swait.ge [sflag:s20], $0x4000  }
0x7c: {  	s4 =	simm.s32 $0x400;
	[sflag:s20] =	ssyncset.done $0x0  }
.LBB2_4:
0x7d: {  	p0 =	sne.s32 s4, $0x4800  }
0x7e: {  	[sflag:s20] =	ssyncadd.s32 $0xFFFFC000;
	s6 =	smov.u32 s4;
	s4 =	sadd.s32 $0x400, s4  }
0x7f: {  	_ = 	snop  }
0x80: {  	_ =	swait.ge [sflag:s25], $0x4000  }
0x81: {  	s6 =	sshra.s32 s6, $0x2;
	[sflag:s25] =	ssyncset.done $0x0  }
0x82: {  	s9 =	sadd.s32 $0x14080, s6;
	[sflag:s25] =	ssyncadd.s32 $0xFFFFC000  }
0x83: {  	[tilespmem:s26], [sflag:$0x2] =	stream.indirect.gather [hbm4b:s1+s23], $0x80, s9, s23, $0xb8;
	[tilespmem:$0x1E800] =	vst v63  }
0x84: {  	s9 =	sadd.s32 $0x15400, s6  }
0x85: {  	[spmem:s3] =	stream.indirect.scatter.add.f32 [tilespmem:s24], [sflag:$0x3], $0x80, s9, s23, $0xb8;
	[tilespmem:$0x1E800] =	vst v63  }
0x86: {  	_ =	swait.ge [sflag:s20], $0x4000  }
0x87: {  	[sflag:s20] =	ssyncset.done $0x0  }
0x88: {  	[sflag:s20] =	ssyncadd.s32 $0xFFFFC000  }
0x89: {  	_ =	swait.ge [sflag:s28], $0x4000  }
0x8a: {  	[sflag:s28] =	ssyncset.done $0x0  }
0x8b: {  	s9 =	sadd.s32 $0x14100, s6;
	[sflag:s28] =	ssyncadd.s32 $0xFFFFC000  }
0x8c: {  	[tilespmem:s24], [sflag:$0x1] =	stream.indirect.gather [hbm4b:s1+s23], $0x80, s9, s23, $0xb8;
	[tilespmem:$0x1E800] =	vst v63  }
.Ltmp1:
0x8d: {  	_ = 	snop;
	(pc) =	sbr.rel @p0 .LBB2_4-.Ltmp1, $4  }
0x8e: {  	s6 =	sadd.s32 $0x15480, s6  }
0x8f: {  	[spmem:s3] =	stream.indirect.scatter.add.f32 [tilespmem:s26], [sflag:$0x3], $0x80, s6, s23, $0xb8;
	[tilespmem:$0x1E800] =	vst v63  }
0x90: {  	_ =	swait.ge [sflag:s20], $0x4000  }
0x91: {  	[sflag:s20] =	ssyncset.done $0x0  }
0x92: {  	[sflag:s20] =	ssyncadd.s32 $0xFFFFC000  }
0x93: {  	_ =	swait.ge [sflag:s25], $0x4000  }
0x94: {  	[sflag:s25] =	ssyncset.done $0x0  }
0x95: {  	[sflag:s25] =	ssyncadd.s32 $0xFFFFC000  }
0x96: {  	[tilespmem:s26], [sflag:$0x2] =	stream.indirect.gather [hbm4b:s1+s23], $0x80, s29, s23, $0xb8;
	[tilespmem:$0x1E800] =	vst v63  }
0x97: {  	_ = 	snop  }
0x98: {  	[spmem:s3] =	stream.indirect.scatter.add.f32 [tilespmem:s24], [sflag:$0x3], $0x80, s30, s23, $0xb8;
	[tilespmem:$0x1E800] =	vst v63  }
0x99: {  	_ =	swait.ge [sflag:s20], $0x4000  }
0x9a: {  	[sflag:s20] =	ssyncset.done $0x0  }
0x9b: {  	[sflag:s20] =	ssyncadd.s32 $0xFFFFC000  }
0x9c: {  	_ =	swait.ge [sflag:s28], $0x4000  }
0x9d: {  	[sflag:s28] =	ssyncset.done $0x0  }
0x9e: {  	[sflag:s28] =	ssyncadd.s32 $0xFFFFC000  }
0x9f: {  	[spmem:s3] =	stream.indirect.scatter.add.f32 [tilespmem:s26], [sflag:$0x3], $0x80, s31, s23, $0xb8;
	[tilespmem:$0x1E800] =	vst v63  }
0xa0: {  	_ =	swait.ge [sflag:s20], $0x4000  }
0xa1: {  	[sflag:s20] =	ssyncset.done $0x0  }
0xa2: {  	[sflag:s20] =	ssyncadd.s32 $0xFFFFC000  }
0xa3: {  	[bflag:$0x0] =	sbarrier.arrive $0xFFFF  }
0xa4: {  	[hbm:s13], [sflag:s8] =	dma.local [spmem:s2], $0x2800  }
0xa5: {  	_ =	swait.ge [sflag:s20], $0x2800  }
0xa6: {  	[sflag:s20] =	ssyncset.done $0x0  }
0xa7: {  	[sflag:s20] =	ssyncadd.s32 $0xFFFFD800  }
0xa8: {  	[bflag:$0x0] =	sbarrier.arrive $0xFFFF  }
0xa9: {  	[spmem:s2], [sflag:s8] =	dma.local [hbm:s7], $0x2800  }
0xaa: {  	_ =	swait.ge [sflag:s20], $0x2800  }
0xab: {  	[sflag:s20] =	ssyncset.done $0x0  }
0xac: {  	[sflag:s20] =	ssyncadd.s32 $0xFFFFD800  }
0xad: {  	s4 =	simm.s32 $0x0;
	[bflag:$0x0] =	sbarrier.arrive $0xFFFF  }
0xae: {  	[tilespmem:s21], [sflag:$0x3] =	stream.linear.gather [hbm4b:s14+s4], $0x1400, $0x38;
	[tilespmem:$0x1E800] =	vst v63  }
0xaf: {  	_ =	swait.ge [sflag:s20], $0x1400  }
0xb0: {  	[sflag:s20] =	ssyncset.done $0x0  }
0xb1: {  	[sflag:s20] =	ssyncadd.s32 $0xFFFFEC00  }
0xb2: {  	[tilespmem:s22], [sflag:$0x3] =	stream.linear.gather [hbm4b:s15+s4], $0x1400, $0x38;
	[tilespmem:$0x1E800] =	vst v63  }
0xb3: {  	_ =	swait.ge [sflag:s20], $0x1400  }
0xb4: {  	[sflag:s20] =	ssyncset.done $0x0  }
0xb5: {  	[sflag:s20] =	ssyncadd.s32 $0xFFFFEC00  }
0xb6: {  	[tilespmem:s24], [sflag:$0x1] =	stream.indirect.gather [hbm4b:s5+s23], $0x80, s21, s23, $0xb8;
	[tilespmem:$0x1E800] =	vst v63  }
0xb7: {  	_ =	swait.ge [sflag:s25], $0x4000  }
0xb8: {  	[sflag:s25] =	ssyncset.done $0x0  }
0xb9: {  	s6 =	simm.s32 $0x14080;
	[sflag:s25] =	ssyncadd.s32 $0xFFFFC000  }
0xba: {  	[tilespmem:s26], [sflag:$0x2] =	stream.indirect.gather [hbm4b:s5+s23], $0x80, s6, s23, $0xb8;
	[tilespmem:$0x1E800] =	vst v63  }
0xbb: {  	s9 =	simm.s32 $0x15400  }
0xbc: {  	[spmem:s3] =	stream.indirect.scatter.add.f32 [tilespmem:s24], [sflag:$0x3], $0x80, s9, s23, $0xb8;
	[tilespmem:$0x1E800] =	vst v63  }
0xbd: {  	_ =	swait.ge [sflag:s20], $0x4000  }
0xbe: {  	[sflag:s20] =	ssyncset.done $0x0  }
0xbf: {  	[sflag:s20] =	ssyncadd.s32 $0xFFFFC000  }
0xc0: {  	_ =	swait.ge [sflag:s28], $0x4000  }
0xc1: {  	[sflag:s28] =	ssyncset.done $0x0  }
0xc2: {  	s6 =	simm.s32 $0x14100;
	[sflag:s28] =	ssyncadd.s32 $0xFFFFC000  }
0xc3: {  	[tilespmem:s24], [sflag:$0x1] =	stream.indirect.gather [hbm4b:s5+s23], $0x80, s6, s23, $0xb8;
	[tilespmem:$0x1E800] =	vst v63  }
0xc4: {  	s9 =	simm.s32 $0x15480  }
0xc5: {  	[spmem:s3] =	stream.indirect.scatter.add.f32 [tilespmem:s26], [sflag:$0x3], $0x80, s9, s23, $0xb8;
	[tilespmem:$0x1E800] =	vst v63  }
0xc6: {  	_ =	swait.ge [sflag:s20], $0x4000  }
0xc7: {  	s4 =	simm.s32 $0x400;
	[sflag:s20] =	ssyncset.done $0x0  }
.LBB2_6:
0xc8: {  	p0 =	sne.s32 s4, $0x4800  }
0xc9: {  	[sflag:s20] =	ssyncadd.s32 $0xFFFFC000;
	s6 =	smov.u32 s4;
	s4 =	sadd.s32 $0x400, s4  }
0xca: {  	_ = 	snop  }
0xcb: {  	_ =	swait.ge [sflag:s25], $0x4000  }
0xcc: {  	s6 =	sshra.s32 s6, $0x2;
	[sflag:s25] =	ssyncset.done $0x0  }
0xcd: {  	s9 =	sadd.s32 $0x14080, s6;
	[sflag:s25] =	ssyncadd.s32 $0xFFFFC000  }
0xce: {  	[tilespmem:s26], [sflag:$0x2] =	stream.indirect.gather [hbm4b:s5+s23], $0x80, s9, s23, $0xb8;
	[tilespmem:$0x1E800] =	vst v63  }
0xcf: {  	s9 =	sadd.s32 $0x15400, s6  }
0xd0: {  	[spmem:s3] =	stream.indirect.scatter.add.f32 [tilespmem:s24], [sflag:$0x3], $0x80, s9, s23, $0xb8;
	[tilespmem:$0x1E800] =	vst v63  }
0xd1: {  	_ =	swait.ge [sflag:s20], $0x4000  }
0xd2: {  	[sflag:s20] =	ssyncset.done $0x0  }
0xd3: {  	[sflag:s20] =	ssyncadd.s32 $0xFFFFC000  }
0xd4: {  	_ =	swait.ge [sflag:s28], $0x4000  }
0xd5: {  	[sflag:s28] =	ssyncset.done $0x0  }
0xd6: {  	s9 =	sadd.s32 $0x14100, s6;
	[sflag:s28] =	ssyncadd.s32 $0xFFFFC000  }
0xd7: {  	[tilespmem:s24], [sflag:$0x1] =	stream.indirect.gather [hbm4b:s5+s23], $0x80, s9, s23, $0xb8;
	[tilespmem:$0x1E800] =	vst v63  }
.Ltmp2:
0xd8: {  	_ = 	snop;
	(pc) =	sbr.rel @p0 .LBB2_6-.Ltmp2, $4  }
0xd9: {  	s6 =	sadd.s32 $0x15480, s6  }
0xda: {  	[spmem:s3] =	stream.indirect.scatter.add.f32 [tilespmem:s26], [sflag:$0x3], $0x80, s6, s23, $0xb8;
	[tilespmem:$0x1E800] =	vst v63  }
0xdb: {  	_ =	swait.ge [sflag:s20], $0x4000  }
0xdc: {  	[sflag:s20] =	ssyncset.done $0x0  }
0xdd: {  	[sflag:s20] =	ssyncadd.s32 $0xFFFFC000  }
0xde: {  	_ =	swait.ge [sflag:s25], $0x4000  }
0xdf: {  	[sflag:s25] =	ssyncset.done $0x0  }
0xe0: {  	[sflag:s25] =	ssyncadd.s32 $0xFFFFC000  }
0xe1: {  	[tilespmem:s26], [sflag:$0x2] =	stream.indirect.gather [hbm4b:s5+s23], $0x80, s29, s23, $0xb8;
	[tilespmem:$0x1E800] =	vst v63  }
0xe2: {  	_ = 	snop  }
0xe3: {  	[spmem:s3] =	stream.indirect.scatter.add.f32 [tilespmem:s24], [sflag:$0x3], $0x80, s30, s23, $0xb8;
	[tilespmem:$0x1E800] =	vst v63  }
0xe4: {  	_ =	swait.ge [sflag:s20], $0x4000  }
0xe5: {  	[sflag:s20] =	ssyncset.done $0x0  }
0xe6: {  	[sflag:s20] =	ssyncadd.s32 $0xFFFFC000  }
0xe7: {  	_ =	swait.ge [sflag:s28], $0x4000  }
0xe8: {  	[sflag:s28] =	ssyncset.done $0x0  }
0xe9: {  	[sflag:s28] =	ssyncadd.s32 $0xFFFFC000  }
0xea: {  	[spmem:s3] =	stream.indirect.scatter.add.f32 [tilespmem:s26], [sflag:$0x3], $0x80, s31, s23, $0xb8;
	[tilespmem:$0x1E800] =	vst v63  }
0xeb: {  	_ =	swait.ge [sflag:s20], $0x4000  }
0xec: {  	[sflag:s20] =	ssyncset.done $0x0  }
0xed: {  	s4 =	simm.s32 $0x0;
	[sflag:s20] =	ssyncadd.s32 $0xFFFFC000  }
0xee: {  	[tilespmem:s21], [sflag:$0x3] =	stream.linear.gather [hbm4b:s16+s4], $0x1400, $0x38;
	[tilespmem:$0x1E800] =	vst v63  }
0xef: {  	_ =	swait.ge [sflag:s20], $0x1400  }
0xf0: {  	[sflag:s20] =	ssyncset.done $0x0  }
0xf1: {  	[sflag:s20] =	ssyncadd.s32 $0xFFFFEC00  }
0xf2: {  	[tilespmem:s22], [sflag:$0x3] =	stream.linear.gather [hbm4b:s17+s4], $0x1400, $0x38;
	[tilespmem:$0x1E800] =	vst v63  }
0xf3: {  	_ =	swait.ge [sflag:s20], $0x1400  }
0xf4: {  	[sflag:s20] =	ssyncset.done $0x0  }
0xf5: {  	[sflag:s20] =	ssyncadd.s32 $0xFFFFEC00  }
0xf6: {  	[tilespmem:s24], [sflag:$0x1] =	stream.indirect.gather [hbm4b:s5+s23], $0x80, s21, s23, $0xb8;
	[tilespmem:$0x1E800] =	vst v63  }
0xf7: {  	_ =	swait.ge [sflag:s25], $0x4000  }
0xf8: {  	[sflag:s25] =	ssyncset.done $0x0  }
0xf9: {  	s6 =	simm.s32 $0x14080;
	[sflag:s25] =	ssyncadd.s32 $0xFFFFC000  }
0xfa: {  	[tilespmem:s26], [sflag:$0x2] =	stream.indirect.gather [hbm4b:s5+s23], $0x80, s6, s23, $0xb8;
	[tilespmem:$0x1E800] =	vst v63  }
0xfb: {  	s9 =	simm.s32 $0x15400  }
0xfc: {  	[spmem:s3] =	stream.indirect.scatter.add.f32 [tilespmem:s24], [sflag:$0x3], $0x80, s9, s23, $0xb8;
	[tilespmem:$0x1E800] =	vst v63  }
0xfd: {  	_ =	swait.ge [sflag:s20], $0x4000  }
0xfe: {  	[sflag:s20] =	ssyncset.done $0x0  }
0xff: {  	[sflag:s20] =	ssyncadd.s32 $0xFFFFC000  }
0x100: {  	_ =	swait.ge [sflag:s28], $0x4000  }
0x101: {  	[sflag:s28] =	ssyncset.done $0x0  }
0x102: {  	s6 =	simm.s32 $0x14100;
	[sflag:s28] =	ssyncadd.s32 $0xFFFFC000  }
0x103: {  	[tilespmem:s24], [sflag:$0x1] =	stream.indirect.gather [hbm4b:s5+s23], $0x80, s6, s23, $0xb8;
	[tilespmem:$0x1E800] =	vst v63  }
0x104: {  	s9 =	simm.s32 $0x15480  }
0x105: {  	[spmem:s3] =	stream.indirect.scatter.add.f32 [tilespmem:s26], [sflag:$0x3], $0x80, s9, s23, $0xb8;
	[tilespmem:$0x1E800] =	vst v63  }
0x106: {  	_ =	swait.ge [sflag:s20], $0x4000  }
0x107: {  	s4 =	simm.s32 $0x400;
	[sflag:s20] =	ssyncset.done $0x0  }
.LBB2_8:
0x108: {  	p0 =	sne.s32 s4, $0x4800  }
0x109: {  	[sflag:s20] =	ssyncadd.s32 $0xFFFFC000;
	s6 =	smov.u32 s4;
	s4 =	sadd.s32 $0x400, s4  }
0x10a: {  	_ = 	snop  }
0x10b: {  	_ =	swait.ge [sflag:s25], $0x4000  }
0x10c: {  	s6 =	sshra.s32 s6, $0x2;
	[sflag:s25] =	ssyncset.done $0x0  }
0x10d: {  	s9 =	sadd.s32 $0x14080, s6;
	[sflag:s25] =	ssyncadd.s32 $0xFFFFC000  }
0x10e: {  	[tilespmem:s26], [sflag:$0x2] =	stream.indirect.gather [hbm4b:s5+s23], $0x80, s9, s23, $0xb8;
	[tilespmem:$0x1E800] =	vst v63  }
0x10f: {  	s9 =	sadd.s32 $0x15400, s6  }
0x110: {  	[spmem:s3] =	stream.indirect.scatter.add.f32 [tilespmem:s24], [sflag:$0x3], $0x80, s9, s23, $0xb8;
	[tilespmem:$0x1E800] =	vst v63  }
0x111: {  	_ =	swait.ge [sflag:s20], $0x4000  }
0x112: {  	[sflag:s20] =	ssyncset.done $0x0  }
0x113: {  	[sflag:s20] =	ssyncadd.s32 $0xFFFFC000  }
0x114: {  	_ =	swait.ge [sflag:s28], $0x4000  }
0x115: {  	[sflag:s28] =	ssyncset.done $0x0  }
0x116: {  	s9 =	sadd.s32 $0x14100, s6;
	[sflag:s28] =	ssyncadd.s32 $0xFFFFC000  }
0x117: {  	[tilespmem:s24], [sflag:$0x1] =	stream.indirect.gather [hbm4b:s5+s23], $0x80, s9, s23, $0xb8;
	[tilespmem:$0x1E800] =	vst v63  }
.Ltmp3:
0x118: {  	_ = 	snop;
	(pc) =	sbr.rel @p0 .LBB2_8-.Ltmp3, $4  }
0x119: {  	s6 =	sadd.s32 $0x15480, s6  }
0x11a: {  	[spmem:s3] =	stream.indirect.scatter.add.f32 [tilespmem:s26], [sflag:$0x3], $0x80, s6, s23, $0xb8;
	[tilespmem:$0x1E800] =	vst v63  }
0x11b: {  	_ =	swait.ge [sflag:s20], $0x4000  }
0x11c: {  	[sflag:s20] =	ssyncset.done $0x0  }
0x11d: {  	[sflag:s20] =	ssyncadd.s32 $0xFFFFC000  }
0x11e: {  	_ =	swait.ge [sflag:s25], $0x4000  }
0x11f: {  	[sflag:s25] =	ssyncset.done $0x0  }
0x120: {  	[sflag:s25] =	ssyncadd.s32 $0xFFFFC000  }
0x121: {  	[tilespmem:s26], [sflag:$0x2] =	stream.indirect.gather [hbm4b:s5+s23], $0x80, s29, s23, $0xb8;
	[tilespmem:$0x1E800] =	vst v63  }
0x122: {  	_ = 	snop  }
0x123: {  	[spmem:s3] =	stream.indirect.scatter.add.f32 [tilespmem:s24], [sflag:$0x3], $0x80, s30, s23, $0xb8;
	[tilespmem:$0x1E800] =	vst v63  }
0x124: {  	_ =	swait.ge [sflag:s20], $0x4000  }
0x125: {  	[sflag:s20] =	ssyncset.done $0x0  }
0x126: {  	[sflag:s20] =	ssyncadd.s32 $0xFFFFC000  }
0x127: {  	_ =	swait.ge [sflag:s28], $0x4000  }
0x128: {  	[sflag:s28] =	ssyncset.done $0x0  }
0x129: {  	[sflag:s28] =	ssyncadd.s32 $0xFFFFC000  }
0x12a: {  	[spmem:s3] =	stream.indirect.scatter.add.f32 [tilespmem:s26], [sflag:$0x3], $0x80, s31, s23, $0xb8;
	[tilespmem:$0x1E800] =	vst v63  }
0x12b: {  	_ =	swait.ge [sflag:s20], $0x4000  }
0x12c: {  	[sflag:s20] =	ssyncset.done $0x0  }
0x12d: {  	s0 =	sadd.s32 $0x1, s0;
	[sflag:s20] =	ssyncadd.s32 $0xFFFFC000  }
0x12e: {  	p0 =	sne.s32 s0, s19;
	[bflag:$0x0] =	sbarrier.arrive $0xFFFF  }
0x12f: {  	[hbm:s18], [sflag:s8] =	dma.local [spmem:s2], $0x2800  }
.Ltmp4:
0x130: {  	_ =	swait.ge [sflag:s20], $0x2800;
	(pc) =	sbr.rel @p0 .LBB2_1-.Ltmp4, $3  }
0x131: {  	[sflag:s20] =	ssyncset.done $0x0  }
0x132: {  	[sflag:s20] =	ssyncadd.s32 $0xFFFFD800  }
0x133: {  	[bflag:$0x0] =	sbarrier.arrive $0xFFFF;
	_ =	sdelay $0x1  }
0x134: {  	_ =	sfence.sel $0x180000  }
0x135: {  	[bflag:$0x0] =	sbarrier.arrive $0xFFFF  }
0x136: {  	_ =	strace $0x9000004A  }
0x137: {  	s0 =	stileid.u32;
	[bflag:$0x2] =	sbarrier.arrive $0xFFFF  }
0x138: {  	p0 =	sne.s32 s0, $0x0;
	s0 =	rddreg [dreg:$0x3]  }
0x139: {  	s0 =	sadd.s32 @!p0 $0x100000, s0  }
0x13a: {  	[sflag:s0] =	ssyncadd.tile.s32 @!p0 $0x1;
	_ =	shalt  }
.Lfunc_end2:
_tile_overlayer_lowered:
.L_overlay_start_2:
0x13b: {  	(tag) =	ssettag $0x2  }
0x13c: {  	s0 =	rddreg [dreg:$0x0];
	s2 =	stileid.u32  }
0x13d: {  	s1 =	rddreg [dreg:$0x1];
	p0 =	sne.s32 s2, $0x0  }
0x13e: {  	s3 =	rddreg [dreg:$0x2];
	[bflag:$0x3] =	sbarrier.arrive $0xFFFF;
	s2 =	simm.s32 @!p0 $0x1C03  }
0x13f: {  	[timem:s3], [sflag:s2] =	dma.local @!p0 [hbm:s0], s1  }
0x140: {  	s0 =	simm.s32 @!p0 $0x3  }
0x141: {  	_ =	swait.ge @!p0 [sflag:s0], s1  }
0x142: {  	s1 =	ssub.s32 @!p0 $0x0, s1;
	[sflag:s0] =	ssyncset.done @!p0 $0x0  }
0x143: {  	[sflag:s0] =	ssyncadd.s32 @!p0 s1  }
0x144: {  	[bflag:$0x3] =	sbarrier.arrive $0xFFFF  }
0x145: {  	_ =	shalt  }

</sc_bundles>
